<compile_context>
chip_gen: v7x
topology: tpu7x:2x2x1
jax: 0.10.2.dev20260603
libtpu: 0.0.44.dev20260713+nightly
codegen_flags: <defaults>
</compile_context>

<pallas_src>
import functools

import jax
import jax.numpy as jnp
from jax import lax
from jax.experimental import pallas as pl
from jax.experimental.pallas import tpu as pltpu
from jax.experimental.pallas import tpu_sc as plsc

HD = 256
T_ROWS = 64
NW = 32
NREP = 4
BLK = 96
NBUF = 4


def _table_body(w0, w1, w2, o):
    for i in range(5):
        for j in range(6):
            for k in range(2):
                r = 12 * i + 2 * j + k
                o[pl.ds(r, 1), :] = (
                    w0[pl.ds(i, 1), :] + w1[pl.ds(j, 1), :] + w2[pl.ds(k, 1), :]
                )
    for r in range(60, T_ROWS):
        o[pl.ds(r, 1), :] = jnp.zeros((1, HD), jnp.float32)


def _build_table(W0, W1, W2):
    nrep = NW * NREP
    return pl.pallas_call(
        _table_body,
        grid=(nrep,),
        in_specs=[
            pl.BlockSpec(W0.shape, lambda i: (0, 0)),
            pl.BlockSpec(W1.shape, lambda i: (0, 0)),
            pl.BlockSpec(W2.shape, lambda i: (0, 0)),
        ],
        out_specs=pl.BlockSpec((T_ROWS, HD), lambda i: (i, 0)),
        out_shape=jax.ShapeDtypeStruct((nrep * T_ROWS, HD), jnp.float32),
    )(W0, W1, W2)


def _sc_body(chunk, a0_hbm, a1_hbm, a2_hbm, t_hbm, out_hbm,
             a0_v, a1_v, a2_v, cidx_v,
             b0, b1, b2, b3, g0, g1, g2, g3, s0, s1, s2, s3):
    bufs = (b0, b1, b2, b3)
    gs = (g0, g1, g2, g3)
    ss = (s0, s1, s2, s3)
    wid = lax.axis_index("s") * 2 + lax.axis_index("c")
    base = wid * chunk
    pltpu.sync_copy(a0_hbm.at[pl.ds(base, chunk)], a0_v.at[pl.ds(0, chunk)])
    pltpu.sync_copy(a1_hbm.at[pl.ds(base, chunk)], a1_v.at[pl.ds(0, chunk)])
    pltpu.sync_copy(a2_hbm.at[pl.ds(base, chunk)], a2_v.at[pl.ds(0, chunk)])

    nvec = (chunk + 15) // 16
    rep0 = wid * NREP * T_ROWS

    def cbody(i, _):
        s = i * 16
        c = a0_v[pl.ds(s, 16)] * 12 + a1_v[pl.ds(s, 16)] * 2 + a2_v[pl.ds(s, 16)]
        c = jnp.minimum(jnp.maximum(c, 0), T_ROWS - 1)
        c = c + (rep0 + (i & (NREP - 1)) * T_ROWS)
        cidx_v[pl.ds(s, 16)] = c
        return 0

    lax.fori_loop(0, nvec, cbody, 0)

    nfull = chunk // BLK
    tail = chunk - nfull * BLK
    assert nfull % NBUF == 0 and nfull // NBUF >= 2

    def start_gather(j, b):
        pltpu.async_copy(t_hbm.at[cidx_v.at[pl.ds(j * BLK, BLK)]], bufs[b], gs[b])

    def wait_gather(b):
        pltpu.make_async_copy(out_hbm.at[pl.ds(0, BLK)], bufs[b], gs[b]).wait()

    def start_store(j, b):
        pltpu.async_copy(bufs[b], out_hbm.at[pl.ds(base + j * BLK, BLK)], ss[b])

    def wait_store(b):
        pltpu.make_async_copy(bufs[b], out_hbm.at[pl.ds(0, BLK)], ss[b]).wait()

    start_gather(0, 0)
    for j in range(1, NBUF):
        wait_gather(j - 1)
        start_store(j - 1, j - 1)
        start_gather(j, j)

    def pbody(j2, _):
        j0 = j2 * NBUF
        for b in range(NBUF):
            j = j0 + b
            bp = (b + NBUF - 1) % NBUF
            wait_gather(bp)
            start_store(j - 1, bp)
            wait_store(b)
            start_gather(j, b)
        return 0

    lax.fori_loop(1, nfull // NBUF, pbody, 0)

    last_b = (nfull - 1) % NBUF
    wait_gather(last_b)
    start_store(nfull - 1, last_b)
    if tail:
        s = nfull * BLK
        wait_store(0)
        pltpu.async_copy(
            t_hbm.at[cidx_v.at[pl.ds(s, tail)]], b0.at[pl.ds(0, tail)], g0
        ).wait()
        pltpu.sync_copy(b0.at[pl.ds(0, tail)], out_hbm.at[pl.ds(base + s, tail)])
        for b in range(1, NBUF):
            wait_store(b)
    else:
        for b in range(NBUF):
            wait_store(b)


def _sc_gather(a0, a1, a2, T):
    E = a0.shape[0]
    assert E % NW == 0
    chunk = E // NW
    assert chunk % 8 == 0
    chunk_pad = ((chunk + 15) // 16) * 16
    mesh = plsc.VectorSubcoreMesh(core_axis_name="c", subcore_axis_name="s")
    kfn = pl.kernel(
        functools.partial(_sc_body, chunk),
        mesh=mesh,
        out_type=jax.ShapeDtypeStruct((E, HD), jnp.float32),
        scratch_types=(
            [pltpu.VMEM((chunk_pad,), jnp.int32)] * 4
            + [pltpu.VMEM((BLK, HD), jnp.float32)] * NBUF
            + [pltpu.SemaphoreType.DMA] * (2 * NBUF)
        ),
    )
    return kfn(a0, a1, a2, T)


def kernel(edge_attr, W0, W1, W2):
    T = _build_table(W0, W1, W2)
    a = edge_attr.astype(jnp.int32)
    return _sc_gather(a[:, 0], a[:, 1], a[:, 2], T)

# --- scband reference (transcript-rebuilt; emitter-appended) ---
"""Pipeline reference for scband-bond-encoder-66099546686018 (READ-ONLY COPY).

The authoritative reference and input builder live on the scoring server;
editing this copy changes nothing except your own understanding.
"""

import jax, jax.numpy as jnp
import numpy as np

HIDDEN_DIM = 256
E = 160000
TABLE_SIZES = [5, 6, 2]  # OGB bond feature cardinalities (bond type, stereo, is_conjugated)


def setup_inputs(seed: int = 0) -> dict:
    key = jax.random.key(seed)
    k_idx, k0, k1, k2 = jax.random.split(key, 4)
    edge_attr = jax.random.randint(k_idx, (E, 3), 0, 2, dtype=jnp.int64 if jax.config.jax_enable_x64 else jnp.int32).astype(jnp.int32)
    W0 = jax.random.normal(k0, (TABLE_SIZES[0], HIDDEN_DIM), dtype=jnp.float32) * 0.02
    W1 = jax.random.normal(k1, (TABLE_SIZES[1], HIDDEN_DIM), dtype=jnp.float32) * 0.02
    W2 = jax.random.normal(k2, (TABLE_SIZES[2], HIDDEN_DIM), dtype=jnp.float32) * 0.02
    return {"edge_attr": edge_attr, "W0": W0, "W1": W1, "W2": W2}


def reference(edge_attr, W0, W1, W2):
    # BondEncoder.forward: sum of per-feature embedding lookups; dropout=0 -> identity
    e = jnp.take(W0, edge_attr[:, 0], axis=0)
    e = e + jnp.take(W1, edge_attr[:, 1], axis=0)
    e = e + jnp.take(W2, edge_attr[:, 2], axis=0)
    return e

if __name__ == "__main__":
    import jax
    _d = setup_inputs()
    print(jax.jit(kernel)(*tuple(_d.values())))

</pallas_src>

<mosaic_0001>
#map = affine_map<(d0, d1) -> (0)>
#map1 = affine_map<(d0, d1) -> (0, 0)>
module attributes {stable_mosaic.version = 14 : i64} {
  func.func @_sc_body(%arg0: i32, %arg1: i32, %arg2: memref<160000xi32, #tpu.memory_space<hbm>>, %arg3: memref<160000xi32, #tpu.memory_space<hbm>>, %arg4: memref<160000xi32, #tpu.memory_space<hbm>>, %arg5: memref<8192x256xf32, #tpu.memory_space<hbm>>, %arg6: memref<160000x256xf32, #tpu.memory_space<hbm>>, %arg7: memref<5008xi32, #tpu.memory_space<vmem>>, %arg8: memref<5008xi32, #tpu.memory_space<vmem>>, %arg9: memref<5008xi32, #tpu.memory_space<vmem>>, %arg10: memref<5008xi32, #tpu.memory_space<vmem>>, %arg11: memref<96x256xf32, #tpu.memory_space<vmem>>, %arg12: memref<96x256xf32, #tpu.memory_space<vmem>>, %arg13: memref<96x256xf32, #tpu.memory_space<vmem>>, %arg14: memref<96x256xf32, #tpu.memory_space<vmem>>, %arg15: memref<!tpu.dma_semaphore, #tpu.memory_space<semaphore_mem>>, %arg16: memref<!tpu.dma_semaphore, #tpu.memory_space<semaphore_mem>>, %arg17: memref<!tpu.dma_semaphore, #tpu.memory_space<semaphore_mem>>, %arg18: memref<!tpu.dma_semaphore, #tpu.memory_space<semaphore_mem>>, %arg19: memref<!tpu.dma_semaphore, #tpu.memory_space<semaphore_mem>>, %arg20: memref<!tpu.dma_semaphore, #tpu.memory_space<semaphore_mem>>, %arg21: memref<!tpu.dma_semaphore, #tpu.memory_space<semaphore_mem>>, %arg22: memref<!tpu.dma_semaphore, #tpu.memory_space<semaphore_mem>>) attributes {dimension_semantics = [#tpu.dimension_semantics<core_parallel>, #tpu.dimension_semantics<subcore_parallel>], iteration_bounds = array<i64: 2, 16>, scalar_prefetch = 0 : i64, scratch_operands = 16 : i64, tpu.core_type = #tpu.core_type<sc_vector_subcore>, window_params = [{transform_indices = #map}, {transform_indices = #map}, {transform_indices = #map}, {transform_indices = #map1}, {transform_indices = #map1}]} {
    %mul3A = arith.constant 2 : i32
    %mul3A_0 = arith.muli %arg1, %mul3A : i32
    %add3A = arith.addi %mul3A_0, %arg0 : i32
    %mul3A_1 = arith.constant 5000 : i32
    %mul3A_2 = arith.muli %add3A, %mul3A_1 : i32
    "tpu.region"() ({
      %run_scoped3A = tpu.sem_alloc : memref<!tpu.dma_semaphore, #tpu.memory_space<semaphore_mem>>
      %dma_start3A_128 = arith.constant 0 : i32
      %dma_start3A_129 = tpu.memref_slice %arg7[%dma_start3A_128] : memref<5008xi32, #tpu.memory_space<vmem>> -> memref<5000xi32, #tpu.memory_space<vmem>>
      %dma_start3A_130 = tpu.memref_slice %arg2[%mul3A_2] : memref<160000xi32, #tpu.memory_space<hbm>> -> memref<5000xi32, #tpu.memory_space<hbm>>
      %dma_start3A_131 = arith.constant 0 : i32
      %dma_start3A_132 = tpu.memref_slice %arg7[%dma_start3A_131] : memref<5008xi32, #tpu.memory_space<vmem>> -> memref<5000xi32, #tpu.memory_space<vmem>>
      %dma_start3A_133 = tpu.memref_slice %arg2[%mul3A_2] : memref<160000xi32, #tpu.memory_space<hbm>> -> memref<5000xi32, #tpu.memory_space<hbm>>
      tpu.enqueue_dma source(%dma_start3A_133 : memref<5000xi32, #tpu.memory_space<hbm>>) target(%dma_start3A_132 : memref<5000xi32, #tpu.memory_space<vmem>>) target_semaphore(%run_scoped3A : memref<!tpu.dma_semaphore, #tpu.memory_space<semaphore_mem>>)
      %dma_wait3A_134 = arith.constant 0 : i32
      %dma_wait3A_135 = tpu.memref_slice %arg7[%dma_wait3A_134] : memref<5008xi32, #tpu.memory_space<vmem>> -> memref<5000xi32, #tpu.memory_space<vmem>>
      %dma_wait3A_136 = tpu.memref_slice %arg2[%mul3A_2] : memref<160000xi32, #tpu.memory_space<hbm>> -> memref<5000xi32, #tpu.memory_space<hbm>>
      %dma_wait3A_137 = arith.constant 0 : i32
      %dma_wait3A_138 = tpu.memref_slice %arg7[%dma_wait3A_137] : memref<5008xi32, #tpu.memory_space<vmem>> -> memref<5000xi32, #tpu.memory_space<vmem>>
      %dma_wait3A_139 = tpu.memref_slice %arg2[%mul3A_2] : memref<160000xi32, #tpu.memory_space<hbm>> -> memref<5000xi32, #tpu.memory_space<hbm>>
      tpu.wait_dma2 semaphore(%run_scoped3A : memref<!tpu.dma_semaphore, #tpu.memory_space<semaphore_mem>>) src(%dma_wait3A_139 : memref<5000xi32, #tpu.memory_space<hbm>>) dst(%dma_wait3A_138 : memref<5000xi32, #tpu.memory_space<vmem>>)
      tpu.yield
    }) : () -> ()
    "tpu.region"() ({
      %run_scoped3A = tpu.sem_alloc : memref<!tpu.dma_semaphore, #tpu.memory_space<semaphore_mem>>
      %dma_start3A_128 = arith.constant 0 : i32
      %dma_start3A_129 = tpu.memref_slice %arg8[%dma_start3A_128] : memref<5008xi32, #tpu.memory_space<vmem>> -> memref<5000xi32, #tpu.memory_space<vmem>>
      %dma_start3A_130 = tpu.memref_slice %arg3[%mul3A_2] : memref<160000xi32, #tpu.memory_space<hbm>> -> memref<5000xi32, #tpu.memory_space<hbm>>
      %dma_start3A_131 = arith.constant 0 : i32
      %dma_start3A_132 = tpu.memref_slice %arg8[%dma_start3A_131] : memref<5008xi32, #tpu.memory_space<vmem>> -> memref<5000xi32, #tpu.memory_space<vmem>>
      %dma_start3A_133 = tpu.memref_slice %arg3[%mul3A_2] : memref<160000xi32, #tpu.memory_space<hbm>> -> memref<5000xi32, #tpu.memory_space<hbm>>
      tpu.enqueue_dma source(%dma_start3A_133 : memref<5000xi32, #tpu.memory_space<hbm>>) target(%dma_start3A_132 : memref<5000xi32, #tpu.memory_space<vmem>>) target_semaphore(%run_scoped3A : memref<!tpu.dma_semaphore, #tpu.memory_space<semaphore_mem>>)
      %dma_wait3A_134 = arith.constant 0 : i32
      %dma_wait3A_135 = tpu.memref_slice %arg8[%dma_wait3A_134] : memref<5008xi32, #tpu.memory_space<vmem>> -> memref<5000xi32, #tpu.memory_space<vmem>>
      %dma_wait3A_136 = tpu.memref_slice %arg3[%mul3A_2] : memref<160000xi32, #tpu.memory_space<hbm>> -> memref<5000xi32, #tpu.memory_space<hbm>>
      %dma_wait3A_137 = arith.constant 0 : i32
      %dma_wait3A_138 = tpu.memref_slice %arg8[%dma_wait3A_137] : memref<5008xi32, #tpu.memory_space<vmem>> -> memref<5000xi32, #tpu.memory_space<vmem>>
      %dma_wait3A_139 = tpu.memref_slice %arg3[%mul3A_2] : memref<160000xi32, #tpu.memory_space<hbm>> -> memref<5000xi32, #tpu.memory_space<hbm>>
      tpu.wait_dma2 semaphore(%run_scoped3A : memref<!tpu.dma_semaphore, #tpu.memory_space<semaphore_mem>>) src(%dma_wait3A_139 : memref<5000xi32, #tpu.memory_space<hbm>>) dst(%dma_wait3A_138 : memref<5000xi32, #tpu.memory_space<vmem>>)
      tpu.yield
    }) : () -> ()
    "tpu.region"() ({
      %run_scoped3A = tpu.sem_alloc : memref<!tpu.dma_semaphore, #tpu.memory_space<semaphore_mem>>
      %dma_start3A_128 = arith.constant 0 : i32
      %dma_start3A_129 = tpu.memref_slice %arg9[%dma_start3A_128] : memref<5008xi32, #tpu.memory_space<vmem>> -> memref<5000xi32, #tpu.memory_space<vmem>>
      %dma_start3A_130 = tpu.memref_slice %arg4[%mul3A_2] : memref<160000xi32, #tpu.memory_space<hbm>> -> memref<5000xi32, #tpu.memory_space<hbm>>
      %dma_start3A_131 = arith.constant 0 : i32
      %dma_start3A_132 = tpu.memref_slice %arg9[%dma_start3A_131] : memref<5008xi32, #tpu.memory_space<vmem>> -> memref<5000xi32, #tpu.memory_space<vmem>>
      %dma_start3A_133 = tpu.memref_slice %arg4[%mul3A_2] : memref<160000xi32, #tpu.memory_space<hbm>> -> memref<5000xi32, #tpu.memory_space<hbm>>
      tpu.enqueue_dma source(%dma_start3A_133 : memref<5000xi32, #tpu.memory_space<hbm>>) target(%dma_start3A_132 : memref<5000xi32, #tpu.memory_space<vmem>>) target_semaphore(%run_scoped3A : memref<!tpu.dma_semaphore, #tpu.memory_space<semaphore_mem>>)
      %dma_wait3A_134 = arith.constant 0 : i32
      %dma_wait3A_135 = tpu.memref_slice %arg9[%dma_wait3A_134] : memref<5008xi32, #tpu.memory_space<vmem>> -> memref<5000xi32, #tpu.memory_space<vmem>>
      %dma_wait3A_136 = tpu.memref_slice %arg4[%mul3A_2] : memref<160000xi32, #tpu.memory_space<hbm>> -> memref<5000xi32, #tpu.memory_space<hbm>>
      %dma_wait3A_137 = arith.constant 0 : i32
      %dma_wait3A_138 = tpu.memref_slice %arg9[%dma_wait3A_137] : memref<5008xi32, #tpu.memory_space<vmem>> -> memref<5000xi32, #tpu.memory_space<vmem>>
      %dma_wait3A_139 = tpu.memref_slice %arg4[%mul3A_2] : memref<160000xi32, #tpu.memory_space<hbm>> -> memref<5000xi32, #tpu.memory_space<hbm>>
      tpu.wait_dma2 semaphore(%run_scoped3A : memref<!tpu.dma_semaphore, #tpu.memory_space<semaphore_mem>>) src(%dma_wait3A_139 : memref<5000xi32, #tpu.memory_space<hbm>>) dst(%dma_wait3A_138 : memref<5000xi32, #tpu.memory_space<vmem>>)
      tpu.yield
    }) : () -> ()
    %mul3A_3 = arith.constant 4 : i32
    %mul3A_4 = arith.muli %add3A, %mul3A_3 : i32
    %mul3A_5 = arith.constant 64 : i32
    %mul3A_6 = arith.muli %mul3A_4, %mul3A_5 : i32
    %scan3A = arith.constant 0 : i32
    %scan3A_7 = arith.constant 0 : i32
    %scan3A_8 = arith.constant 313 : i32
    %scan3A_9 = arith.addi %scan3A_7, %scan3A_8 : i32
    %scan3A_10 = arith.constant 1 : i32
    %scan3A_11 = scf.for %scan3A_128 = %scan3A_7 to %scan3A_9 step %scan3A_10 iter_args(%scan3A_129 = %scan3A) -> (i32)  : i32 {
      %mul3A_130 = arith.constant 16 : i32
      %mul3A_131 = arith.muli %scan3A_128, %mul3A_130 : i32
      %get3A = arith.index_cast %mul3A_131 : i32 to index
      %get3A_132 = tpu.vector_load %arg7[%get3A] {strides = array<i32>} : memref<5008xi32, #tpu.memory_space<vmem>>, vector<16xi32>,
      %get3A_133 = vector.shape_cast %get3A_132 : vector<16xi32> to vector<16xi32>
      %mul3A_134 = arith.constant 12 : i32
      %mul3A_135 = vector.broadcast %mul3A_134 : i32 to vector<16xi32>
      %mul3A_136 = arith.muli %get3A_133, %mul3A_135 : vector<16xi32>
      %get3A_137 = arith.index_cast %mul3A_131 : i32 to index
      %get3A_138 = tpu.vector_load %arg8[%get3A_137] {strides = array<i32>} : memref<5008xi32, #tpu.memory_space<vmem>>, vector<16xi32>,
      %get3A_139 = vector.shape_cast %get3A_138 : vector<16xi32> to vector<16xi32>
      %mul3A_140 = arith.constant 2 : i32
      %mul3A_141 = vector.broadcast %mul3A_140 : i32 to vector<16xi32>
      %mul3A_142 = arith.muli %get3A_139, %mul3A_141 : vector<16xi32>
      %add3A_143 = arith.addi %mul3A_136, %mul3A_142 : vector<16xi32>
      %get3A_144 = arith.index_cast %mul3A_131 : i32 to index
      %get3A_145 = tpu.vector_load %arg9[%get3A_144] {strides = array<i32>} : memref<5008xi32, #tpu.memory_space<vmem>>, vector<16xi32>,
      %get3A_146 = vector.shape_cast %get3A_145 : vector<16xi32> to vector<16xi32>
      %add3A_147 = arith.addi %add3A_143, %get3A_146 : vector<16xi32>
      %max3A = arith.constant 0 : i32
      %max3A_148 = vector.broadcast %max3A : i32 to vector<16xi32>
      %max3A_149 = arith.maxsi %add3A_147, %max3A_148 : vector<16xi32>
      %min3A = arith.constant 63 : i32
      %min3A_150 = vector.broadcast %min3A : i32 to vector<16xi32>
      %min3A_151 = arith.minsi %max3A_149, %min3A_150 : vector<16xi32>
      %and3A = arith.constant 3 : i32
      %and3A_152 = arith.andi %scan3A_128, %and3A : i32
      %mul3A_153 = arith.constant 64 : i32
      %mul3A_154 = arith.muli %and3A_152, %mul3A_153 : i32
      %add3A_155 = arith.addi %mul3A_6, %mul3A_154 : i32
      %add3A_156 = vector.broadcast %add3A_155 : i32 to vector<16xi32>
      %add3A_157 = arith.addi %min3A_151, %add3A_156 : vector<16xi32>
      %swap3A = arith.index_cast %mul3A_131 : i32 to index
      %swap3A_158 = tpu.vector_load %arg10[%swap3A] {strides = array<i32>} : memref<5008xi32, #tpu.memory_space<vmem>>, vector<16xi32>,
      %swap3A_159 = vector.shape_cast %swap3A_158 : vector<16xi32> to vector<16xi32>
      %swap3A_160 = vector.shape_cast %add3A_157 : vector<16xi32> to vector<16xi32>
      tpu.vector_store %arg10[%swap3A], %swap3A_160 {strides = array<i32>} : memref<5008xi32, #tpu.memory_space<vmem>>, vector<16xi32>,
      %scan3A_161 = arith.constant 0 : i32
      scf.yield %scan3A_161 : i32
    }
    %scan3A_12 = arith.constant 313 : i32
    %dma_start3A = arith.constant 0 : i32
    %dma_start3A_13 = tpu.memref_slice %arg10[%dma_start3A] : memref<5008xi32, #tpu.memory_space<vmem>> -> memref<96xi32, #tpu.memory_space<vmem>>
    %dma_start3A_14 = arith.constant 0 : i32
    %dma_start3A_15 = arith.constant 0 : i32
    %dma_start3A_16 = tpu.memref_slice %arg5[%dma_start3A_14, %dma_start3A_15] : memref<8192x256xf32, #tpu.memory_space<hbm>> -> memref<8192x256xf32, #tpu.memory_space<hbm>>
    tpu.enqueue_indirect_dma source(%dma_start3A_16 : memref<8192x256xf32, #tpu.memory_space<hbm>>) target(%arg11 : memref<96x256xf32, #tpu.memory_space<vmem>>) offsets(%dma_start3A_13 : memref<96xi32, #tpu.memory_space<vmem>>) semaphore(%arg15 : memref<!tpu.dma_semaphore, #tpu.memory_space<semaphore_mem>>)
    %dma_wait3A = arith.constant 0 : i32
    %dma_wait3A_17 = arith.constant 0 : i32
    %dma_wait3A_18 = tpu.memref_slice %arg6[%dma_wait3A, %dma_wait3A_17] : memref<160000x256xf32, #tpu.memory_space<hbm>> -> memref<96x256xf32, #tpu.memory_space<hbm>>
    %dma_wait3A_19 = arith.constant 0 : i32
    %dma_wait3A_20 = arith.constant 0 : i32
    %dma_wait3A_21 = tpu.memref_slice %arg6[%dma_wait3A_19, %dma_wait3A_20] : memref<160000x256xf32, #tpu.memory_space<hbm>> -> memref<96x256xf32, #tpu.memory_space<hbm>>
    tpu.wait_dma2 semaphore(%arg15 : memref<!tpu.dma_semaphore, #tpu.memory_space<semaphore_mem>>) src(%dma_wait3A_21 : memref<96x256xf32, #tpu.memory_space<hbm>>) dst(%arg11 : memref<96x256xf32, #tpu.memory_space<vmem>>)
    %add3A_22 = arith.constant 0 : i32
    %add3A_23 = arith.addi %mul3A_2, %add3A_22 : i32
    %dma_start3A_24 = arith.constant 0 : i32
    %dma_start3A_25 = tpu.memref_slice %arg6[%add3A_23, %dma_start3A_24] : memref<160000x256xf32, #tpu.memory_space<hbm>> -> memref<96x256xf32, #tpu.memory_space<hbm>>
    %dma_start3A_26 = arith.constant 0 : i32
    %dma_start3A_27 = tpu.memref_slice %arg6[%add3A_23, %dma_start3A_26] : memref<160000x256xf32, #tpu.memory_space<hbm>> -> memref<96x256xf32, #tpu.memory_space<hbm>>
    tpu.enqueue_dma source(%arg11 : memref<96x256xf32, #tpu.memory_space<vmem>>) target(%dma_start3A_27 : memref<96x256xf32, #tpu.memory_space<hbm>>) target_semaphore(%arg19 : memref<!tpu.dma_semaphore, #tpu.memory_space<semaphore_mem>>)
    %dma_start3A_28 = arith.constant 96 : i32
    %dma_start3A_29 = tpu.memref_slice %arg10[%dma_start3A_28] : memref<5008xi32, #tpu.memory_space<vmem>> -> memref<96xi32, #tpu.memory_space<vmem>>
    %dma_start3A_30 = arith.constant 0 : i32
    %dma_start3A_31 = arith.constant 0 : i32
    %dma_start3A_32 = tpu.memref_slice %arg5[%dma_start3A_30, %dma_start3A_31] : memref<8192x256xf32, #tpu.memory_space<hbm>> -> memref<8192x256xf32, #tpu.memory_space<hbm>>
    tpu.enqueue_indirect_dma source(%dma_start3A_32 : memref<8192x256xf32, #tpu.memory_space<hbm>>) target(%arg12 : memref<96x256xf32, #tpu.memory_space<vmem>>) offsets(%dma_start3A_29 : memref<96xi32, #tpu.memory_space<vmem>>) semaphore(%arg16 : memref<!tpu.dma_semaphore, #tpu.memory_space<semaphore_mem>>)
    %dma_wait3A_33 = arith.constant 0 : i32
    %dma_wait3A_34 = arith.constant 0 : i32
    %dma_wait3A_35 = tpu.memref_slice %arg6[%dma_wait3A_33, %dma_wait3A_34] : memref<160000x256xf32, #tpu.memory_space<hbm>> -> memref<96x256xf32, #tpu.memory_space<hbm>>
    %dma_wait3A_36 = arith.constant 0 : i32
    %dma_wait3A_37 = arith.constant 0 : i32
    %dma_wait3A_38 = tpu.memref_slice %arg6[%dma_wait3A_36, %dma_wait3A_37] : memref<160000x256xf32, #tpu.memory_space<hbm>> -> memref<96x256xf32, #tpu.memory_space<hbm>>
    tpu.wait_dma2 semaphore(%arg16 : memref<!tpu.dma_semaphore, #tpu.memory_space<semaphore_mem>>) src(%dma_wait3A_38 : memref<96x256xf32, #tpu.memory_space<hbm>>) dst(%arg12 : memref<96x256xf32, #tpu.memory_space<vmem>>)
    %add3A_39 = arith.constant 96 : i32
    %add3A_40 = arith.addi %mul3A_2, %add3A_39 : i32
    %dma_start3A_41 = arith.constant 0 : i32
    %dma_start3A_42 = tpu.memref_slice %arg6[%add3A_40, %dma_start3A_41] : memref<160000x256xf32, #tpu.memory_space<hbm>> -> memref<96x256xf32, #tpu.memory_space<hbm>>
    %dma_start3A_43 = arith.constant 0 : i32
    %dma_start3A_44 = tpu.memref_slice %arg6[%add3A_40, %dma_start3A_43] : memref<160000x256xf32, #tpu.memory_space<hbm>> -> memref<96x256xf32, #tpu.memory_space<hbm>>
    tpu.enqueue_dma source(%arg12 : memref<96x256xf32, #tpu.memory_space<vmem>>) target(%dma_start3A_44 : memref<96x256xf32, #tpu.memory_space<hbm>>) target_semaphore(%arg20 : memref<!tpu.dma_semaphore, #tpu.memory_space<semaphore_mem>>)
    %dma_start3A_45 = arith.constant 192 : i32
    %dma_start3A_46 = tpu.memref_slice %arg10[%dma_start3A_45] : memref<5008xi32, #tpu.memory_space<vmem>> -> memref<96xi32, #tpu.memory_space<vmem>>
    %dma_start3A_47 = arith.constant 0 : i32
    %dma_start3A_48 = arith.constant 0 : i32
    %dma_start3A_49 = tpu.memref_slice %arg5[%dma_start3A_47, %dma_start3A_48] : memref<8192x256xf32, #tpu.memory_space<hbm>> -> memref<8192x256xf32, #tpu.memory_space<hbm>>
    tpu.enqueue_indirect_dma source(%dma_start3A_49 : memref<8192x256xf32, #tpu.memory_space<hbm>>) target(%arg13 : memref<96x256xf32, #tpu.memory_space<vmem>>) offsets(%dma_start3A_46 : memref<96xi32, #tpu.memory_space<vmem>>) semaphore(%arg17 : memref<!tpu.dma_semaphore, #tpu.memory_space<semaphore_mem>>)
    %dma_wait3A_50 = arith.constant 0 : i32
    %dma_wait3A_51 = arith.constant 0 : i32
    %dma_wait3A_52 = tpu.memref_slice %arg6[%dma_wait3A_50, %dma_wait3A_51] : memref<160000x256xf32, #tpu.memory_space<hbm>> -> memref<96x256xf32, #tpu.memory_space<hbm>>
    %dma_wait3A_53 = arith.constant 0 : i32
    %dma_wait3A_54 = arith.constant 0 : i32
    %dma_wait3A_55 = tpu.memref_slice %arg6[%dma_wait3A_53, %dma_wait3A_54] : memref<160000x256xf32, #tpu.memory_space<hbm>> -> memref<96x256xf32, #tpu.memory_space<hbm>>
    tpu.wait_dma2 semaphore(%arg17 : memref<!tpu.dma_semaphore, #tpu.memory_space<semaphore_mem>>) src(%dma_wait3A_55 : memref<96x256xf32, #tpu.memory_space<hbm>>) dst(%arg13 : memref<96x256xf32, #tpu.memory_space<vmem>>)
    %add3A_56 = arith.constant 192 : i32
    %add3A_57 = arith.addi %mul3A_2, %add3A_56 : i32
    %dma_start3A_58 = arith.constant 0 : i32
    %dma_start3A_59 = tpu.memref_slice %arg6[%add3A_57, %dma_start3A_58] : memref<160000x256xf32, #tpu.memory_space<hbm>> -> memref<96x256xf32, #tpu.memory_space<hbm>>
    %dma_start3A_60 = arith.constant 0 : i32
    %dma_start3A_61 = tpu.memref_slice %arg6[%add3A_57, %dma_start3A_60] : memref<160000x256xf32, #tpu.memory_space<hbm>> -> memref<96x256xf32, #tpu.memory_space<hbm>>
    tpu.enqueue_dma source(%arg13 : memref<96x256xf32, #tpu.memory_space<vmem>>) target(%dma_start3A_61 : memref<96x256xf32, #tpu.memory_space<hbm>>) target_semaphore(%arg21 : memref<!tpu.dma_semaphore, #tpu.memory_space<semaphore_mem>>)
    %dma_start3A_62 = arith.constant 288 : i32
    %dma_start3A_63 = tpu.memref_slice %arg10[%dma_start3A_62] : memref<5008xi32, #tpu.memory_space<vmem>> -> memref<96xi32, #tpu.memory_space<vmem>>
    %dma_start3A_64 = arith.constant 0 : i32
    %dma_start3A_65 = arith.constant 0 : i32
    %dma_start3A_66 = tpu.memref_slice %arg5[%dma_start3A_64, %dma_start3A_65] : memref<8192x256xf32, #tpu.memory_space<hbm>> -> memref<8192x256xf32, #tpu.memory_space<hbm>>
    tpu.enqueue_indirect_dma source(%dma_start3A_66 : memref<8192x256xf32, #tpu.memory_space<hbm>>) target(%arg14 : memref<96x256xf32, #tpu.memory_space<vmem>>) offsets(%dma_start3A_63 : memref<96xi32, #tpu.memory_space<vmem>>) semaphore(%arg18 : memref<!tpu.dma_semaphore, #tpu.memory_space<semaphore_mem>>)
    %scan3A_67 = arith.constant 0 : i32
    %scan3A_68 = arith.constant 1 : i32
    %scan3A_69 = arith.constant 12 : i32
    %scan3A_70 = arith.addi %scan3A_68, %scan3A_69 : i32
    %scan3A_71 = arith.constant 1 : i32
    %scan3A_72 = scf.for %scan3A_128 = %scan3A_68 to %scan3A_70 step %scan3A_71 iter_args(%scan3A_129 = %scan3A_67) -> (i32)  : i32 {
      %mul3A_130 = arith.constant 4 : i32
      %mul3A_131 = arith.muli %scan3A_128, %mul3A_130 : i32
      %add3A_132 = arith.constant 0 : i32
      %add3A_133 = arith.addi %mul3A_131, %add3A_132 : i32
      %dma_wait3A_134 = arith.constant 0 : i32
      %dma_wait3A_135 = arith.constant 0 : i32
      %dma_wait3A_136 = tpu.memref_slice %arg6[%dma_wait3A_134, %dma_wait3A_135] : memref<160000x256xf32, #tpu.memory_space<hbm>> -> memref<96x256xf32, #tpu.memory_space<hbm>>
      %dma_wait3A_137 = arith.constant 0 : i32
      %dma_wait3A_138 = arith.constant 0 : i32
      %dma_wait3A_139 = tpu.memref_slice %arg6[%dma_wait3A_137, %dma_wait3A_138] : memref<160000x256xf32, #tpu.memory_space<hbm>> -> memref<96x256xf32, #tpu.memory_space<hbm>>
      tpu.wait_dma2 semaphore(%arg18 : memref<!tpu.dma_semaphore, #tpu.memory_space<semaphore_mem>>) src(%dma_wait3A_139 : memref<96x256xf32, #tpu.memory_space<hbm>>) dst(%arg14 : memref<96x256xf32, #tpu.memory_space<vmem>>)
      %sub3A = arith.constant 1 : i32
      %sub3A_140 = arith.subi %add3A_133, %sub3A : i32
      %mul3A_141 = arith.constant 96 : i32
      %mul3A_142 = arith.muli %sub3A_140, %mul3A_141 : i32
      %add3A_143 = arith.addi %mul3A_2, %mul3A_142 : i32
      %dma_start3A_144 = arith.constant 0 : i32
      %dma_start3A_145 = tpu.memref_slice %arg6[%add3A_143, %dma_start3A_144] : memref<160000x256xf32, #tpu.memory_space<hbm>> -> memref<96x256xf32, #tpu.memory_space<hbm>>
      %dma_start3A_146 = arith.constant 0 : i32
      %dma_start3A_147 = tpu.memref_slice %arg6[%add3A_143, %dma_start3A_146] : memref<160000x256xf32, #tpu.memory_space<hbm>> -> memref<96x256xf32, #tpu.memory_space<hbm>>
      tpu.enqueue_dma source(%arg14 : memref<96x256xf32, #tpu.memory_space<vmem>>) target(%dma_start3A_147 : memref<96x256xf32, #tpu.memory_space<hbm>>) target_semaphore(%arg22 : memref<!tpu.dma_semaphore, #tpu.memory_space<semaphore_mem>>)
      %dma_wait3A_148 = arith.constant 0 : i32
      %dma_wait3A_149 = arith.constant 0 : i32
      %dma_wait3A_150 = tpu.memref_slice %arg6[%dma_wait3A_148, %dma_wait3A_149] : memref<160000x256xf32, #tpu.memory_space<hbm>> -> memref<96x256xf32, #tpu.memory_space<hbm>>
      %dma_wait3A_151 = arith.constant 0 : i32
      %dma_wait3A_152 = arith.constant 0 : i32
      %dma_wait3A_153 = tpu.memref_slice %arg6[%dma_wait3A_151, %dma_wait3A_152] : memref<160000x256xf32, #tpu.memory_space<hbm>> -> memref<96x256xf32, #tpu.memory_space<hbm>>
      tpu.wait_dma2 semaphore(%arg19 : memref<!tpu.dma_semaphore, #tpu.memory_space<semaphore_mem>>) src(%arg11 : memref<96x256xf32, #tpu.memory_space<vmem>>) dst(%dma_wait3A_153 : memref<96x256xf32, #tpu.memory_space<hbm>>)
      %mul3A_154 = arith.constant 96 : i32
      %mul3A_155 = arith.muli %add3A_133, %mul3A_154 : i32
      %dma_start3A_156 = tpu.memref_slice %arg10[%mul3A_155] : memref<5008xi32, #tpu.memory_space<vmem>> -> memref<96xi32, #tpu.memory_space<vmem>>
      %dma_start3A_157 = arith.constant 0 : i32
      %dma_start3A_158 = arith.constant 0 : i32
      %dma_start3A_159 = tpu.memref_slice %arg5[%dma_start3A_157, %dma_start3A_158] : memref<8192x256xf32, #tpu.memory_space<hbm>> -> memref<8192x256xf32, #tpu.memory_space<hbm>>
      tpu.enqueue_indirect_dma source(%dma_start3A_159 : memref<8192x256xf32, #tpu.memory_space<hbm>>) target(%arg11 : memref<96x256xf32, #tpu.memory_space<vmem>>) offsets(%dma_start3A_156 : memref<96xi32, #tpu.memory_space<vmem>>) semaphore(%arg15 : memref<!tpu.dma_semaphore, #tpu.memory_space<semaphore_mem>>)
      %add3A_160 = arith.constant 1 : i32
      %add3A_161 = arith.addi %mul3A_131, %add3A_160 : i32
      %dma_wait3A_162 = arith.constant 0 : i32
      %dma_wait3A_163 = arith.constant 0 : i32
      %dma_wait3A_164 = tpu.memref_slice %arg6[%dma_wait3A_162, %dma_wait3A_163] : memref<160000x256xf32, #tpu.memory_space<hbm>> -> memref<96x256xf32, #tpu.memory_space<hbm>>
      %dma_wait3A_165 = arith.constant 0 : i32
      %dma_wait3A_166 = arith.constant 0 : i32
      %dma_wait3A_167 = tpu.memref_slice %arg6[%dma_wait3A_165, %dma_wait3A_166] : memref<160000x256xf32, #tpu.memory_space<hbm>> -> memref<96x256xf32, #tpu.memory_space<hbm>>
      tpu.wait_dma2 semaphore(%arg15 : memref<!tpu.dma_semaphore, #tpu.memory_space<semaphore_mem>>) src(%dma_wait3A_167 : memref<96x256xf32, #tpu.memory_space<hbm>>) dst(%arg11 : memref<96x256xf32, #tpu.memory_space<vmem>>)
      %sub3A_168 = arith.constant 1 : i32
      %sub3A_169 = arith.subi %add3A_161, %sub3A_168 : i32
      %mul3A_170 = arith.constant 96 : i32
      %mul3A_171 = arith.muli %sub3A_169, %mul3A_170 : i32
      %add3A_172 = arith.addi %mul3A_2, %mul3A_171 : i32
      %dma_start3A_173 = arith.constant 0 : i32
      %dma_start3A_174 = tpu.memref_slice %arg6[%add3A_172, %dma_start3A_173] : memref<160000x256xf32, #tpu.memory_space<hbm>> -> memref<96x256xf32, #tpu.memory_space<hbm>>
      %dma_start3A_175 = arith.constant 0 : i32
      %dma_start3A_176 = tpu.memref_slice %arg6[%add3A_172, %dma_start3A_175] : memref<160000x256xf32, #tpu.memory_space<hbm>> -> memref<96x256xf32, #tpu.memory_space<hbm>>
      tpu.enqueue_dma source(%arg11 : memref<96x256xf32, #tpu.memory_space<vmem>>) target(%dma_start3A_176 : memref<96x256xf32, #tpu.memory_space<hbm>>) target_semaphore(%arg19 : memref<!tpu.dma_semaphore, #tpu.memory_space<semaphore_mem>>)
      %dma_wait3A_177 = arith.constant 0 : i32
      %dma_wait3A_178 = arith.constant 0 : i32
      %dma_wait3A_179 = tpu.memref_slice %arg6[%dma_wait3A_177, %dma_wait3A_178] : memref<160000x256xf32, #tpu.memory_space<hbm>> -> memref<96x256xf32, #tpu.memory_space<hbm>>
      %dma_wait3A_180 = arith.constant 0 : i32
      %dma_wait3A_181 = arith.constant 0 : i32
      %dma_wait3A_182 = tpu.memref_slice %arg6[%dma_wait3A_180, %dma_wait3A_181] : memref<160000x256xf32, #tpu.memory_space<hbm>> -> memref<96x256xf32, #tpu.memory_space<hbm>>
      tpu.wait_dma2 semaphore(%arg20 : memref<!tpu.dma_semaphore, #tpu.memory_space<semaphore_mem>>) src(%arg12 : memref<96x256xf32, #tpu.memory_space<vmem>>) dst(%dma_wait3A_182 : memref<96x256xf32, #tpu.memory_space<hbm>>)
      %mul3A_183 = arith.constant 96 : i32
      %mul3A_184 = arith.muli %add3A_161, %mul3A_183 : i32
      %dma_start3A_185 = tpu.memref_slice %arg10[%mul3A_184] : memref<5008xi32, #tpu.memory_space<vmem>> -> memref<96xi32, #tpu.memory_space<vmem>>
      %dma_start3A_186 = arith.constant 0 : i32
      %dma_start3A_187 = arith.constant 0 : i32
      %dma_start3A_188 = tpu.memref_slice %arg5[%dma_start3A_186, %dma_start3A_187] : memref<8192x256xf32, #tpu.memory_space<hbm>> -> memref<8192x256xf32, #tpu.memory_space<hbm>>
      tpu.enqueue_indirect_dma source(%dma_start3A_188 : memref<8192x256xf32, #tpu.memory_space<hbm>>) target(%arg12 : memref<96x256xf32, #tpu.memory_space<vmem>>) offsets(%dma_start3A_185 : memref<96xi32, #tpu.memory_space<vmem>>) semaphore(%arg16 : memref<!tpu.dma_semaphore, #tpu.memory_space<semaphore_mem>>)
      %add3A_189 = arith.constant 2 : i32
      %add3A_190 = arith.addi %mul3A_131, %add3A_189 : i32
      %dma_wait3A_191 = arith.constant 0 : i32
      %dma_wait3A_192 = arith.constant 0 : i32
      %dma_wait3A_193 = tpu.memref_slice %arg6[%dma_wait3A_191, %dma_wait3A_192] : memref<160000x256xf32, #tpu.memory_space<hbm>> -> memref<96x256xf32, #tpu.memory_space<hbm>>
      %dma_wait3A_194 = arith.constant 0 : i32
      %dma_wait3A_195 = arith.constant 0 : i32
      %dma_wait3A_196 = tpu.memref_slice %arg6[%dma_wait3A_194, %dma_wait3A_195] : memref<160000x256xf32, #tpu.memory_space<hbm>> -> memref<96x256xf32, #tpu.memory_space<hbm>>
      tpu.wait_dma2 semaphore(%arg16 : memref<!tpu.dma_semaphore, #tpu.memory_space<semaphore_mem>>) src(%dma_wait3A_196 : memref<96x256xf32, #tpu.memory_space<hbm>>) dst(%arg12 : memref<96x256xf32, #tpu.memory_space<vmem>>)
      %sub3A_197 = arith.constant 1 : i32
      %sub3A_198 = arith.subi %add3A_190, %sub3A_197 : i32
      %mul3A_199 = arith.constant 96 : i32
      %mul3A_200 = arith.muli %sub3A_198, %mul3A_199 : i32
      %add3A_201 = arith.addi %mul3A_2, %mul3A_200 : i32
      %dma_start3A_202 = arith.constant 0 : i32
      %dma_start3A_203 = tpu.memref_slice %arg6[%add3A_201, %dma_start3A_202] : memref<160000x256xf32, #tpu.memory_space<hbm>> -> memref<96x256xf32, #tpu.memory_space<hbm>>
      %dma_start3A_204 = arith.constant 0 : i32
      %dma_start3A_205 = tpu.memref_slice %arg6[%add3A_201, %dma_start3A_204] : memref<160000x256xf32, #tpu.memory_space<hbm>> -> memref<96x256xf32, #tpu.memory_space<hbm>>
      tpu.enqueue_dma source(%arg12 : memref<96x256xf32, #tpu.memory_space<vmem>>) target(%dma_start3A_205 : memref<96x256xf32, #tpu.memory_space<hbm>>) target_semaphore(%arg20 : memref<!tpu.dma_semaphore, #tpu.memory_space<semaphore_mem>>)
      %dma_wait3A_206 = arith.constant 0 : i32
      %dma_wait3A_207 = arith.constant 0 : i32
      %dma_wait3A_208 = tpu.memref_slice %arg6[%dma_wait3A_206, %dma_wait3A_207] : memref<160000x256xf32, #tpu.memory_space<hbm>> -> memref<96x256xf32, #tpu.memory_space<hbm>>
      %dma_wait3A_209 = arith.constant 0 : i32
      %dma_wait3A_210 = arith.constant 0 : i32
      %dma_wait3A_211 = tpu.memref_slice %arg6[%dma_wait3A_209, %dma_wait3A_210] : memref<160000x256xf32, #tpu.memory_space<hbm>> -> memref<96x256xf32, #tpu.memory_space<hbm>>
      tpu.wait_dma2 semaphore(%arg21 : memref<!tpu.dma_semaphore, #tpu.memory_space<semaphore_mem>>) src(%arg13 : memref<96x256xf32, #tpu.memory_space<vmem>>) dst(%dma_wait3A_211 : memref<96x256xf32, #tpu.memory_space<hbm>>)
      %mul3A_212 = arith.constant 96 : i32
      %mul3A_213 = arith.muli %add3A_190, %mul3A_212 : i32
      %dma_start3A_214 = tpu.memref_slice %arg10[%mul3A_213] : memref<5008xi32, #tpu.memory_space<vmem>> -> memref<96xi32, #tpu.memory_space<vmem>>
      %dma_start3A_215 = arith.constant 0 : i32
      %dma_start3A_216 = arith.constant 0 : i32
      %dma_start3A_217 = tpu.memref_slice %arg5[%dma_start3A_215, %dma_start3A_216] : memref<8192x256xf32, #tpu.memory_space<hbm>> -> memref<8192x256xf32, #tpu.memory_space<hbm>>
      tpu.enqueue_indirect_dma source(%dma_start3A_217 : memref<8192x256xf32, #tpu.memory_space<hbm>>) target(%arg13 : memref<96x256xf32, #tpu.memory_space<vmem>>) offsets(%dma_start3A_214 : memref<96xi32, #tpu.memory_space<vmem>>) semaphore(%arg17 : memref<!tpu.dma_semaphore, #tpu.memory_space<semaphore_mem>>)
      %add3A_218 = arith.constant 3 : i32
      %add3A_219 = arith.addi %mul3A_131, %add3A_218 : i32
      %dma_wait3A_220 = arith.constant 0 : i32
      %dma_wait3A_221 = arith.constant 0 : i32
      %dma_wait3A_222 = tpu.memref_slice %arg6[%dma_wait3A_220, %dma_wait3A_221] : memref<160000x256xf32, #tpu.memory_space<hbm>> -> memref<96x256xf32, #tpu.memory_space<hbm>>
      %dma_wait3A_223 = arith.constant 0 : i32
      %dma_wait3A_224 = arith.constant 0 : i32
      %dma_wait3A_225 = tpu.memref_slice %arg6[%dma_wait3A_223, %dma_wait3A_224] : memref<160000x256xf32, #tpu.memory_space<hbm>> -> memref<96x256xf32, #tpu.memory_space<hbm>>
      tpu.wait_dma2 semaphore(%arg17 : memref<!tpu.dma_semaphore, #tpu.memory_space<semaphore_mem>>) src(%dma_wait3A_225 : memref<96x256xf32, #tpu.memory_space<hbm>>) dst(%arg13 : memref<96x256xf32, #tpu.memory_space<vmem>>)
      %sub3A_226 = arith.constant 1 : i32
      %sub3A_227 = arith.subi %add3A_219, %sub3A_226 : i32
      %mul3A_228 = arith.constant 96 : i32
      %mul3A_229 = arith.muli %sub3A_227, %mul3A_228 : i32
      %add3A_230 = arith.addi %mul3A_2, %mul3A_229 : i32
      %dma_start3A_231 = arith.constant 0 : i32
      %dma_start3A_232 = tpu.memref_slice %arg6[%add3A_230, %dma_start3A_231] : memref<160000x256xf32, #tpu.memory_space<hbm>> -> memref<96x256xf32, #tpu.memory_space<hbm>>
      %dma_start3A_233 = arith.constant 0 : i32
      %dma_start3A_234 = tpu.memref_slice %arg6[%add3A_230, %dma_start3A_233] : memref<160000x256xf32, #tpu.memory_space<hbm>> -> memref<96x256xf32, #tpu.memory_space<hbm>>
      tpu.enqueue_dma source(%arg13 : memref<96x256xf32, #tpu.memory_space<vmem>>) target(%dma_start3A_234 : memref<96x256xf32, #tpu.memory_space<hbm>>) target_semaphore(%arg21 : memref<!tpu.dma_semaphore, #tpu.memory_space<semaphore_mem>>)
      %dma_wait3A_235 = arith.constant 0 : i32
      %dma_wait3A_236 = arith.constant 0 : i32
      %dma_wait3A_237 = tpu.memref_slice %arg6[%dma_wait3A_235, %dma_wait3A_236] : memref<160000x256xf32, #tpu.memory_space<hbm>> -> memref<96x256xf32, #tpu.memory_space<hbm>>
      %dma_wait3A_238 = arith.constant 0 : i32
      %dma_wait3A_239 = arith.constant 0 : i32
      %dma_wait3A_240 = tpu.memref_slice %arg6[%dma_wait3A_238, %dma_wait3A_239] : memref<160000x256xf32, #tpu.memory_space<hbm>> -> memref<96x256xf32, #tpu.memory_space<hbm>>
      tpu.wait_dma2 semaphore(%arg22 : memref<!tpu.dma_semaphore, #tpu.memory_space<semaphore_mem>>) src(%arg14 : memref<96x256xf32, #tpu.memory_space<vmem>>) dst(%dma_wait3A_240 : memref<96x256xf32, #tpu.memory_space<hbm>>)
      %mul3A_241 = arith.constant 96 : i32
      %mul3A_242 = arith.muli %add3A_219, %mul3A_241 : i32
      %dma_start3A_243 = tpu.memref_slice %arg10[%mul3A_242] : memref<5008xi32, #tpu.memory_space<vmem>> -> memref<96xi32, #tpu.memory_space<vmem>>
      %dma_start3A_244 = arith.constant 0 : i32
      %dma_start3A_245 = arith.constant 0 : i32
      %dma_start3A_246 = tpu.memref_slice %arg5[%dma_start3A_244, %dma_start3A_245] : memref<8192x256xf32, #tpu.memory_space<hbm>> -> memref<8192x256xf32, #tpu.memory_space<hbm>>
      tpu.enqueue_indirect_dma source(%dma_start3A_246 : memref<8192x256xf32, #tpu.memory_space<hbm>>) target(%arg14 : memref<96x256xf32, #tpu.memory_space<vmem>>) offsets(%dma_start3A_243 : memref<96xi32, #tpu.memory_space<vmem>>) semaphore(%arg18 : memref<!tpu.dma_semaphore, #tpu.memory_space<semaphore_mem>>)
      %scan3A_247 = arith.constant 0 : i32
      scf.yield %scan3A_247 : i32
    }
    %scan3A_73 = arith.constant 12 : i32
    %dma_wait3A_74 = arith.constant 0 : i32
    %dma_wait3A_75 = arith.constant 0 : i32
    %dma_wait3A_76 = tpu.memref_slice %arg6[%dma_wait3A_74, %dma_wait3A_75] : memref<160000x256xf32, #tpu.memory_space<hbm>> -> memref<96x256xf32, #tpu.memory_space<hbm>>
    %dma_wait3A_77 = arith.constant 0 : i32
    %dma_wait3A_78 = arith.constant 0 : i32
    %dma_wait3A_79 = tpu.memref_slice %arg6[%dma_wait3A_77, %dma_wait3A_78] : memref<160000x256xf32, #tpu.memory_space<hbm>> -> memref<96x256xf32, #tpu.memory_space<hbm>>
    tpu.wait_dma2 semaphore(%arg18 : memref<!tpu.dma_semaphore, #tpu.memory_space<semaphore_mem>>) src(%dma_wait3A_79 : memref<96x256xf32, #tpu.memory_space<hbm>>) dst(%arg14 : memref<96x256xf32, #tpu.memory_space<vmem>>)
    %add3A_80 = arith.constant 4896 : i32
    %add3A_81 = arith.addi %mul3A_2, %add3A_80 : i32
    %dma_start3A_82 = arith.constant 0 : i32
    %dma_start3A_83 = tpu.memref_slice %arg6[%add3A_81, %dma_start3A_82] : memref<160000x256xf32, #tpu.memory_space<hbm>> -> memref<96x256xf32, #tpu.memory_space<hbm>>
    %dma_start3A_84 = arith.constant 0 : i32
    %dma_start3A_85 = tpu.memref_slice %arg6[%add3A_81, %dma_start3A_84] : memref<160000x256xf32, #tpu.memory_space<hbm>> -> memref<96x256xf32, #tpu.memory_space<hbm>>
    tpu.enqueue_dma source(%arg14 : memref<96x256xf32, #tpu.memory_space<vmem>>) target(%dma_start3A_85 : memref<96x256xf32, #tpu.memory_space<hbm>>) target_semaphore(%arg22 : memref<!tpu.dma_semaphore, #tpu.memory_space<semaphore_mem>>)
    %dma_wait3A_86 = arith.constant 0 : i32
    %dma_wait3A_87 = arith.constant 0 : i32
    %dma_wait3A_88 = tpu.memref_slice %arg6[%dma_wait3A_86, %dma_wait3A_87] : memref<160000x256xf32, #tpu.memory_space<hbm>> -> memref<96x256xf32, #tpu.memory_space<hbm>>
    %dma_wait3A_89 = arith.constant 0 : i32
    %dma_wait3A_90 = arith.constant 0 : i32
    %dma_wait3A_91 = tpu.memref_slice %arg6[%dma_wait3A_89, %dma_wait3A_90] : memref<160000x256xf32, #tpu.memory_space<hbm>> -> memref<96x256xf32, #tpu.memory_space<hbm>>
    tpu.wait_dma2 semaphore(%arg19 : memref<!tpu.dma_semaphore, #tpu.memory_space<semaphore_mem>>) src(%arg11 : memref<96x256xf32, #tpu.memory_space<vmem>>) dst(%dma_wait3A_91 : memref<96x256xf32, #tpu.memory_space<hbm>>)
    %dma_start3A_92 = arith.constant 0 : i32
    %dma_start3A_93 = arith.constant 0 : i32
    %dma_start3A_94 = tpu.memref_slice %arg11[%dma_start3A_92, %dma_start3A_93] : memref<96x256xf32, #tpu.memory_space<vmem>> -> memref<8x256xf32, #tpu.memory_space<vmem>>
    %dma_start3A_95 = arith.constant 4992 : i32
    %dma_start3A_96 = tpu.memref_slice %arg10[%dma_start3A_95] : memref<5008xi32, #tpu.memory_space<vmem>> -> memref<8xi32, #tpu.memory_space<vmem>>
    %dma_start3A_97 = arith.constant 0 : i32
    %dma_start3A_98 = arith.constant 0 : i32
    %dma_start3A_99 = tpu.memref_slice %arg5[%dma_start3A_97, %dma_start3A_98] : memref<8192x256xf32, #tpu.memory_space<hbm>> -> memref<8192x256xf32, #tpu.memory_space<hbm>>
    tpu.enqueue_indirect_dma source(%dma_start3A_99 : memref<8192x256xf32, #tpu.memory_space<hbm>>) target(%dma_start3A_94 : memref<8x256xf32, #tpu.memory_space<vmem>>) offsets(%dma_start3A_96 : memref<8xi32, #tpu.memory_space<vmem>>) semaphore(%arg15 : memref<!tpu.dma_semaphore, #tpu.memory_space<semaphore_mem>>)
    %dma_wait3A_100 = arith.constant 0 : i32
    %dma_wait3A_101 = arith.constant 0 : i32
    %dma_wait3A_102 = tpu.memref_slice %arg11[%dma_wait3A_100, %dma_wait3A_101] : memref<96x256xf32, #tpu.memory_space<vmem>> -> memref<8x256xf32, #tpu.memory_space<vmem>>
    %dma_wait3A_103 = arith.constant 4992 : i32
    %dma_wait3A_104 = tpu.memref_slice %arg10[%dma_wait3A_103] : memref<5008xi32, #tpu.memory_space<vmem>> -> memref<8xi32, #tpu.memory_space<vmem>>
    %dma_wait3A_105 = arith.constant 0 : i32
    %dma_wait3A_106 = arith.constant 0 : i32
    %dma_wait3A_107 = tpu.memref_slice %arg5[%dma_wait3A_105, %dma_wait3A_106] : memref<8192x256xf32, #tpu.memory_space<hbm>> -> memref<8192x256xf32, #tpu.memory_space<hbm>>
    tpu.wait_indirect_dma semaphore(%arg15 : memref<!tpu.dma_semaphore, #tpu.memory_space<semaphore_mem>>) src(%dma_wait3A_107 : memref<8192x256xf32, #tpu.memory_space<hbm>>) dst(%dma_wait3A_102 : memref<8x256xf32, #tpu.memory_space<vmem>>)
    %add3A_108 = arith.constant 4992 : i32
    %add3A_109 = arith.addi %mul3A_2, %add3A_108 : i32
    "tpu.region"() ({
      %run_scoped3A = tpu.sem_alloc : memref<!tpu.dma_semaphore, #tpu.memory_space<semaphore_mem>>
      %dma_start3A_128 = arith.constant 0 : i32
      %dma_start3A_129 = arith.constant 0 : i32
      %dma_start3A_130 = tpu.memref_slice %arg11[%dma_start3A_128, %dma_start3A_129] : memref<96x256xf32, #tpu.memory_space<vmem>> -> memref<8x256xf32, #tpu.memory_space<vmem>>
      %dma_start3A_131 = arith.constant 0 : i32
      %dma_start3A_132 = tpu.memref_slice %arg6[%add3A_109, %dma_start3A_131] : memref<160000x256xf32, #tpu.memory_space<hbm>> -> memref<8x256xf32, #tpu.memory_space<hbm>>
      %dma_start3A_133 = arith.constant 0 : i32
      %dma_start3A_134 = tpu.memref_slice %arg6[%add3A_109, %dma_start3A_133] : memref<160000x256xf32, #tpu.memory_space<hbm>> -> memref<8x256xf32, #tpu.memory_space<hbm>>
      %dma_start3A_135 = arith.constant 0 : i32
      %dma_start3A_136 = arith.constant 0 : i32
      %dma_start3A_137 = tpu.memref_slice %arg11[%dma_start3A_135, %dma_start3A_136] : memref<96x256xf32, #tpu.memory_space<vmem>> -> memref<8x256xf32, #tpu.memory_space<vmem>>
      tpu.enqueue_dma source(%dma_start3A_137 : memref<8x256xf32, #tpu.memory_space<vmem>>) target(%dma_start3A_134 : memref<8x256xf32, #tpu.memory_space<hbm>>) target_semaphore(%run_scoped3A : memref<!tpu.dma_semaphore, #tpu.memory_space<semaphore_mem>>)
      %dma_wait3A_138 = arith.constant 0 : i32
      %dma_wait3A_139 = arith.constant 0 : i32
      %dma_wait3A_140 = tpu.memref_slice %arg11[%dma_wait3A_138, %dma_wait3A_139] : memref<96x256xf32, #tpu.memory_space<vmem>> -> memref<8x256xf32, #tpu.memory_space<vmem>>
      %dma_wait3A_141 = arith.constant 0 : i32
      %dma_wait3A_142 = tpu.memref_slice %arg6[%add3A_109, %dma_wait3A_141] : memref<160000x256xf32, #tpu.memory_space<hbm>> -> memref<8x256xf32, #tpu.memory_space<hbm>>
      %dma_wait3A_143 = arith.constant 0 : i32
      %dma_wait3A_144 = tpu.memref_slice %arg6[%add3A_109, %dma_wait3A_143] : memref<160000x256xf32, #tpu.memory_space<hbm>> -> memref<8x256xf32, #tpu.memory_space<hbm>>
      %dma_wait3A_145 = arith.constant 0 : i32
      %dma_wait3A_146 = arith.constant 0 : i32
      %dma_wait3A_147 = tpu.memref_slice %arg11[%dma_wait3A_145, %dma_wait3A_146] : memref<96x256xf32, #tpu.memory_space<vmem>> -> memref<8x256xf32, #tpu.memory_space<vmem>>
      tpu.wait_dma2 semaphore(%run_scoped3A : memref<!tpu.dma_semaphore, #tpu.memory_space<semaphore_mem>>) src(%dma_wait3A_147 : memref<8x256xf32, #tpu.memory_space<vmem>>) dst(%dma_wait3A_144 : memref<8x256xf32, #tpu.memory_space<hbm>>)
      tpu.yield
    }) : () -> ()
    %dma_wait3A_110 = arith.constant 0 : i32
    %dma_wait3A_111 = arith.constant 0 : i32
    %dma_wait3A_112 = tpu.memref_slice %arg6[%dma_wait3A_110, %dma_wait3A_111] : memref<160000x256xf32, #tpu.memory_space<hbm>> -> memref<96x256xf32, #tpu.memory_space<hbm>>
    %dma_wait3A_113 = arith.constant 0 : i32
    %dma_wait3A_114 = arith.constant 0 : i32
    %dma_wait3A_115 = tpu.memref_slice %arg6[%dma_wait3A_113, %dma_wait3A_114] : memref<160000x256xf32, #tpu.memory_space<hbm>> -> memref<96x256xf32, #tpu.memory_space<hbm>>
    tpu.wait_dma2 semaphore(%arg20 : memref<!tpu.dma_semaphore, #tpu.memory_space<semaphore_mem>>) src(%arg12 : memref<96x256xf32, #tpu.memory_space<vmem>>) dst(%dma_wait3A_115 : memref<96x256xf32, #tpu.memory_space<hbm>>)
    %dma_wait3A_116 = arith.constant 0 : i32
    %dma_wait3A_117 = arith.constant 0 : i32
    %dma_wait3A_118 = tpu.memref_slice %arg6[%dma_wait3A_116, %dma_wait3A_117] : memref<160000x256xf32, #tpu.memory_space<hbm>> -> memref<96x256xf32, #tpu.memory_space<hbm>>
    %dma_wait3A_119 = arith.constant 0 : i32
    %dma_wait3A_120 = arith.constant 0 : i32
    %dma_wait3A_121 = tpu.memref_slice %arg6[%dma_wait3A_119, %dma_wait3A_120] : memref<160000x256xf32, #tpu.memory_space<hbm>> -> memref<96x256xf32, #tpu.memory_space<hbm>>
    tpu.wait_dma2 semaphore(%arg21 : memref<!tpu.dma_semaphore, #tpu.memory_space<semaphore_mem>>) src(%arg13 : memref<96x256xf32, #tpu.memory_space<vmem>>) dst(%dma_wait3A_121 : memref<96x256xf32, #tpu.memory_space<hbm>>)
    %dma_wait3A_122 = arith.constant 0 : i32
    %dma_wait3A_123 = arith.constant 0 : i32
    %dma_wait3A_124 = tpu.memref_slice %arg6[%dma_wait3A_122, %dma_wait3A_123] : memref<160000x256xf32, #tpu.memory_space<hbm>> -> memref<96x256xf32, #tpu.memory_space<hbm>>
    %dma_wait3A_125 = arith.constant 0 : i32
    %dma_wait3A_126 = arith.constant 0 : i32
    %dma_wait3A_127 = tpu.memref_slice %arg6[%dma_wait3A_125, %dma_wait3A_126] : memref<160000x256xf32, #tpu.memory_space<hbm>> -> memref<96x256xf32, #tpu.memory_space<hbm>>
    tpu.wait_dma2 semaphore(%arg22 : memref<!tpu.dma_semaphore, #tpu.memory_space<semaphore_mem>>) src(%arg14 : memref<96x256xf32, #tpu.memory_space<vmem>>) dst(%dma_wait3A_127 : memref<96x256xf32, #tpu.memory_space<hbm>>)
    return
  }
}

module attributes {stable_mosaic.version = 14 : i64} {
  func.func @_table_body(%arg0: i32, %arg1: memref<5x256xf32, #tpu.memory_space<vmem>>, %arg2: memref<6x256xf32, #tpu.memory_space<vmem>>, %arg3: memref<2x256xf32, #tpu.memory_space<vmem>>, %arg4: memref<64x256xf32, #tpu.memory_space<vmem>>) attributes {dimension_semantics = [#tpu.dimension_semantics<arbitrary>], iteration_bounds = array<i64: 128>, scalar_prefetch = 0 : i64, scratch_operands = 0 : i64, tpu.core_type = #tpu.core_type<tc>, window_params = [{pipeline_mode = #tpu.pipeline_mode<synchronous>, transform_indices = @transform_0, window_bounds = array<i64: 5, 256>}, {pipeline_mode = #tpu.pipeline_mode<synchronous>, transform_indices = @transform_1, window_bounds = array<i64: 6, 256>}, {pipeline_mode = #tpu.pipeline_mode<synchronous>, transform_indices = @transform_2, window_bounds = array<i64: 2, 256>}, {transform_indices = @transform_3, window_bounds = array<i64: 64, 256>}]} {
    %get3A = arith.constant 0 : index
    %get3A_0 = arith.constant 0 : index
    %get3A_1 = vector.load %arg1[%get3A, %get3A_0] : memref<5x256xf32, #tpu.memory_space<vmem>>, vector<1x256xf32>
    %get3A_2 = arith.constant 0 : index
    %get3A_3 = arith.constant 0 : index
    %get3A_4 = vector.load %arg2[%get3A_2, %get3A_3] : memref<6x256xf32, #tpu.memory_space<vmem>>, vector<1x256xf32>
    %add3A = arith.addf %get3A_1, %get3A_4 : vector<1x256xf32>
    %get3A_5 = arith.constant 0 : index
    %get3A_6 = arith.constant 0 : index
    %get3A_7 = vector.load %arg3[%get3A_5, %get3A_6] : memref<2x256xf32, #tpu.memory_space<vmem>>, vector<1x256xf32>
    %add3A_8 = arith.addf %add3A, %get3A_7 : vector<1x256xf32>
    %swap3A = arith.constant 0 : index
    %swap3A_9 = arith.constant 0 : index
    %swap3A_10 = vector.load %arg4[%swap3A, %swap3A_9] : memref<64x256xf32, #tpu.memory_space<vmem>>, vector<1x256xf32>
    tpu.vector_store %arg4[%swap3A, %swap3A_9], %add3A_8 {strides = array<i32>} : memref<64x256xf32, #tpu.memory_space<vmem>>, vector<1x256xf32>,
    %get3A_11 = arith.constant 0 : index
    %get3A_12 = arith.constant 0 : index
    %get3A_13 = vector.load %arg1[%get3A_11, %get3A_12] : memref<5x256xf32, #tpu.memory_space<vmem>>, vector<1x256xf32>
    %get3A_14 = arith.constant 0 : index
    %get3A_15 = arith.constant 0 : index
    %get3A_16 = vector.load %arg2[%get3A_14, %get3A_15] : memref<6x256xf32, #tpu.memory_space<vmem>>, vector<1x256xf32>
    %add3A_17 = arith.addf %get3A_13, %get3A_16 : vector<1x256xf32>
    %get3A_18 = arith.constant 1 : index
    %get3A_19 = arith.constant 0 : index
    %get3A_20 = vector.load %arg3[%get3A_18, %get3A_19] : memref<2x256xf32, #tpu.memory_space<vmem>>, vector<1x256xf32>
    %add3A_21 = arith.addf %add3A_17, %get3A_20 : vector<1x256xf32>
    %swap3A_22 = arith.constant 1 : index
    %swap3A_23 = arith.constant 0 : index
    %swap3A_24 = vector.load %arg4[%swap3A_22, %swap3A_23] : memref<64x256xf32, #tpu.memory_space<vmem>>, vector<1x256xf32>
    tpu.vector_store %arg4[%swap3A_22, %swap3A_23], %add3A_21 {strides = array<i32>} : memref<64x256xf32, #tpu.memory_space<vmem>>, vector<1x256xf32>,
    %get3A_25 = arith.constant 0 : index
    %get3A_26 = arith.constant 0 : index
    %get3A_27 = vector.load %arg1[%get3A_25, %get3A_26] : memref<5x256xf32, #tpu.memory_space<vmem>>, vector<1x256xf32>
    %get3A_28 = arith.constant 1 : index
    %get3A_29 = arith.constant 0 : index
    %get3A_30 = vector.load %arg2[%get3A_28, %get3A_29] : memref<6x256xf32, #tpu.memory_space<vmem>>, vector<1x256xf32>
    %add3A_31 = arith.addf %get3A_27, %get3A_30 : vector<1x256xf32>
    %get3A_32 = arith.constant 0 : index
    %get3A_33 = arith.constant 0 : index
    %get3A_34 = vector.load %arg3[%get3A_32, %get3A_33] : memref<2x256xf32, #tpu.memory_space<vmem>>, vector<1x256xf32>
    %add3A_35 = arith.addf %add3A_31, %get3A_34 : vector<1x256xf32>
    %swap3A_36 = arith.constant 2 : index
    %swap3A_37 = arith.constant 0 : index
    %swap3A_38 = vector.load %arg4[%swap3A_36, %swap3A_37] : memref<64x256xf32, #tpu.memory_space<vmem>>, vector<1x256xf32>
    tpu.vector_store %arg4[%swap3A_36, %swap3A_37], %add3A_35 {strides = array<i32>} : memref<64x256xf32, #tpu.memory_space<vmem>>, vector<1x256xf32>,
    %get3A_39 = arith.constant 0 : index
    %get3A_40 = arith.constant 0 : index
    %get3A_41 = vector.load %arg1[%get3A_39, %get3A_40] : memref<5x256xf32, #tpu.memory_space<vmem>>, vector<1x256xf32>
    %get3A_42 = arith.constant 1 : index
    %get3A_43 = arith.constant 0 : index
    %get3A_44 = vector.load %arg2[%get3A_42, %get3A_43] : memref<6x256xf32, #tpu.memory_space<vmem>>, vector<1x256xf32>
    %add3A_45 = arith.addf %get3A_41, %get3A_44 : vector<1x256xf32>
    %get3A_46 = arith.constant 1 : index
    %get3A_47 = arith.constant 0 : index
    %get3A_48 = vector.load %arg3[%get3A_46, %get3A_47] : memref<2x256xf32, #tpu.memory_space<vmem>>, vector<1x256xf32>
    %add3A_49 = arith.addf %add3A_45, %get3A_48 : vector<1x256xf32>
    %swap3A_50 = arith.constant 3 : index
    %swap3A_51 = arith.constant 0 : index
    %swap3A_52 = vector.load %arg4[%swap3A_50, %swap3A_51] : memref<64x256xf32, #tpu.memory_space<vmem>>, vector<1x256xf32>
    tpu.vector_store %arg4[%swap3A_50, %swap3A_51], %add3A_49 {strides = array<i32>} : memref<64x256xf32, #tpu.memory_space<vmem>>, vector<1x256xf32>,
    %get3A_53 = arith.constant 0 : index
    %get3A_54 = arith.constant 0 : index
    %get3A_55 = vector.load %arg1[%get3A_53, %get3A_54] : memref<5x256xf32, #tpu.memory_space<vmem>>, vector<1x256xf32>
    %get3A_56 = arith.constant 2 : index
    %get3A_57 = arith.constant 0 : index
    %get3A_58 = vector.load %arg2[%get3A_56, %get3A_57] : memref<6x256xf32, #tpu.memory_space<vmem>>, vector<1x256xf32>
    %add3A_59 = arith.addf %get3A_55, %get3A_58 : vector<1x256xf32>
    %get3A_60 = arith.constant 0 : index
    %get3A_61 = arith.constant 0 : index
    %get3A_62 = vector.load %arg3[%get3A_60, %get3A_61] : memref<2x256xf32, #tpu.memory_space<vmem>>, vector<1x256xf32>
    %add3A_63 = arith.addf %add3A_59, %get3A_62 : vector<1x256xf32>
    %swap3A_64 = arith.constant 4 : index
    %swap3A_65 = arith.constant 0 : index
    %swap3A_66 = vector.load %arg4[%swap3A_64, %swap3A_65] : memref<64x256xf32, #tpu.memory_space<vmem>>, vector<1x256xf32>
    tpu.vector_store %arg4[%swap3A_64, %swap3A_65], %add3A_63 {strides = array<i32>} : memref<64x256xf32, #tpu.memory_space<vmem>>, vector<1x256xf32>,
    %get3A_67 = arith.constant 0 : index
    %get3A_68 = arith.constant 0 : index
    %get3A_69 = vector.load %arg1[%get3A_67, %get3A_68] : memref<5x256xf32, #tpu.memory_space<vmem>>, vector<1x256xf32>
    %get3A_70 = arith.constant 2 : index
    %get3A_71 = arith.constant 0 : index
    %get3A_72 = vector.load %arg2[%get3A_70, %get3A_71] : memref<6x256xf32, #tpu.memory_space<vmem>>, vector<1x256xf32>
    %add3A_73 = arith.addf %get3A_69, %get3A_72 : vector<1x256xf32>
    %get3A_74 = arith.constant 1 : index
    %get3A_75 = arith.constant 0 : index
    %get3A_76 = vector.load %arg3[%get3A_74, %get3A_75] : memref<2x256xf32, #tpu.memory_space<vmem>>, vector<1x256xf32>
    %add3A_77 = arith.addf %add3A_73, %get3A_76 : vector<1x256xf32>
    %swap3A_78 = arith.constant 5 : index
    %swap3A_79 = arith.constant 0 : index
    %swap3A_80 = vector.load %arg4[%swap3A_78, %swap3A_79] : memref<64x256xf32, #tpu.memory_space<vmem>>, vector<1x256xf32>
    tpu.vector_store %arg4[%swap3A_78, %swap3A_79], %add3A_77 {strides = array<i32>} : memref<64x256xf32, #tpu.memory_space<vmem>>, vector<1x256xf32>,
    %get3A_81 = arith.constant 0 : index
    %get3A_82 = arith.constant 0 : index
    %get3A_83 = vector.load %arg1[%get3A_81, %get3A_82] : memref<5x256xf32, #tpu.memory_space<vmem>>, vector<1x256xf32>
    %get3A_84 = arith.constant 3 : index
    %get3A_85 = arith.constant 0 : index
    %get3A_86 = vector.load %arg2[%get3A_84, %get3A_85] : memref<6x256xf32, #tpu.memory_space<vmem>>, vector<1x256xf32>
    %add3A_87 = arith.addf %get3A_83, %get3A_86 : vector<1x256xf32>
    %get3A_88 = arith.constant 0 : index
    %get3A_89 = arith.constant 0 : index
    %get3A_90 = vector.load %arg3[%get3A_88, %get3A_89] : memref<2x256xf32, #tpu.memory_space<vmem>>, vector<1x256xf32>
    %add3A_91 = arith.addf %add3A_87, %get3A_90 : vector<1x256xf32>
    %swap3A_92 = arith.constant 6 : index
    %swap3A_93 = arith.constant 0 : index
    %swap3A_94 = vector.load %arg4[%swap3A_92, %swap3A_93] : memref<64x256xf32, #tpu.memory_space<vmem>>, vector<1x256xf32>
    tpu.vector_store %arg4[%swap3A_92, %swap3A_93], %add3A_91 {strides = array<i32>} : memref<64x256xf32, #tpu.memory_space<vmem>>, vector<1x256xf32>,
    %get3A_95 = arith.constant 0 : index
    %get3A_96 = arith.constant 0 : index
    %get3A_97 = vector.load %arg1[%get3A_95, %get3A_96] : memref<5x256xf32, #tpu.memory_space<vmem>>, vector<1x256xf32>
    %get3A_98 = arith.constant 3 : index
    %get3A_99 = arith.constant 0 : index
    %get3A_100 = vector.load %arg2[%get3A_98, %get3A_99] : memref<6x256xf32, #tpu.memory_space<vmem>>, vector<1x256xf32>
    %add3A_101 = arith.addf %get3A_97, %get3A_100 : vector<1x256xf32>
    %get3A_102 = arith.constant 1 : index
    %get3A_103 = arith.constant 0 : index
    %get3A_104 = vector.load %arg3[%get3A_102, %get3A_103] : memref<2x256xf32, #tpu.memory_space<vmem>>, vector<1x256xf32>
    %add3A_105 = arith.addf %add3A_101, %get3A_104 : vector<1x256xf32>
    %swap3A_106 = arith.constant 7 : index
    %swap3A_107 = arith.constant 0 : index
    %swap3A_108 = vector.load %arg4[%swap3A_106, %swap3A_107] : memref<64x256xf32, #tpu.memory_space<vmem>>, vector<1x256xf32>
    tpu.vector_store %arg4[%swap3A_106, %swap3A_107], %add3A_105 {strides = array<i32>} : memref<64x256xf32, #tpu.memory_space<vmem>>, vector<1x256xf32>,
    %get3A_109 = arith.constant 0 : index
    %get3A_110 = arith.constant 0 : index
    %get3A_111 = vector.load %arg1[%get3A_109, %get3A_110] : memref<5x256xf32, #tpu.memory_space<vmem>>, vector<1x256xf32>
    %get3A_112 = arith.constant 4 : index
    %get3A_113 = arith.constant 0 : index
    %get3A_114 = vector.load %arg2[%get3A_112, %get3A_113] : memref<6x256xf32, #tpu.memory_space<vmem>>, vector<1x256xf32>
    %add3A_115 = arith.addf %get3A_111, %get3A_114 : vector<1x256xf32>
    %get3A_116 = arith.constant 0 : index
    %get3A_117 = arith.constant 0 : index
    %get3A_118 = vector.load %arg3[%get3A_116, %get3A_117] : memref<2x256xf32, #tpu.memory_space<vmem>>, vector<1x256xf32>
    %add3A_119 = arith.addf %add3A_115, %get3A_118 : vector<1x256xf32>
    %swap3A_120 = arith.constant 8 : index
    %swap3A_121 = arith.constant 0 : index
    %swap3A_122 = vector.load %arg4[%swap3A_120, %swap3A_121] : memref<64x256xf32, #tpu.memory_space<vmem>>, vector<1x256xf32>
    tpu.vector_store %arg4[%swap3A_120, %swap3A_121], %add3A_119 {strides = array<i32>} : memref<64x256xf32, #tpu.memory_space<vmem>>, vector<1x256xf32>,
    %get3A_123 = arith.constant 0 : index
    %get3A_124 = arith.constant 0 : index
    %get3A_125 = vector.load %arg1[%get3A_123, %get3A_124] : memref<5x256xf32, #tpu.memory_space<vmem>>, vector<1x256xf32>
    %get3A_126 = arith.constant 4 : index
    %get3A_127 = arith.constant 0 : index
    %get3A_128 = vector.load %arg2[%get3A_126, %get3A_127] : memref<6x256xf32, #tpu.memory_space<vmem>>, vector<1x256xf32>
    %add3A_129 = arith.addf %get3A_125, %get3A_128 : vector<1x256xf32>
    %get3A_130 = arith.constant 1 : index
    %get3A_131 = arith.constant 0 : index
    %get3A_132 = vector.load %arg3[%get3A_130, %get3A_131] : memref<2x256xf32, #tpu.memory_space<vmem>>, vector<1x256xf32>
    %add3A_133 = arith.addf %add3A_129, %get3A_132 : vector<1x256xf32>
    %swap3A_134 = arith.constant 9 : index
    %swap3A_135 = arith.constant 0 : index
    %swap3A_136 = vector.load %arg4[%swap3A_134, %swap3A_135] : memref<64x256xf32, #tpu.memory_space<vmem>>, vector<1x256xf32>
    tpu.vector_store %arg4[%swap3A_134, %swap3A_135], %add3A_133 {strides = array<i32>} : memref<64x256xf32, #tpu.memory_space<vmem>>, vector<1x256xf32>,
    %get3A_137 = arith.constant 0 : index
    %get3A_138 = arith.constant 0 : index
    %get3A_139 = vector.load %arg1[%get3A_137, %get3A_138] : memref<5x256xf32, #tpu.memory_space<vmem>>, vector<1x256xf32>
    %get3A_140 = arith.constant 5 : index
    %get3A_141 = arith.constant 0 : index
    %get3A_142 = vector.load %arg2[%get3A_140, %get3A_141] : memref<6x256xf32, #tpu.memory_space<vmem>>, vector<1x256xf32>
    %add3A_143 = arith.addf %get3A_139, %get3A_142 : vector<1x256xf32>
    %get3A_144 = arith.constant 0 : index
    %get3A_145 = arith.constant 0 : index
    %get3A_146 = vector.load %arg3[%get3A_144, %get3A_145] : memref<2x256xf32, #tpu.memory_space<vmem>>, vector<1x256xf32>
    %add3A_147 = arith.addf %add3A_143, %get3A_146 : vector<1x256xf32>
    %swap3A_148 = arith.constant 10 : index
    %swap3A_149 = arith.constant 0 : index
    %swap3A_150 = vector.load %arg4[%swap3A_148, %swap3A_149] : memref<64x256xf32, #tpu.memory_space<vmem>>, vector<1x256xf32>
    tpu.vector_store %arg4[%swap3A_148, %swap3A_149], %add3A_147 {strides = array<i32>} : memref<64x256xf32, #tpu.memory_space<vmem>>, vector<1x256xf32>,
    %get3A_151 = arith.constant 0 : index
    %get3A_152 = arith.constant 0 : index
    %get3A_153 = vector.load %arg1[%get3A_151, %get3A_152] : memref<5x256xf32, #tpu.memory_space<vmem>>, vector<1x256xf32>
    %get3A_154 = arith.constant 5 : index
    %get3A_155 = arith.constant 0 : index
    %get3A_156 = vector.load %arg2[%get3A_154, %get3A_155] : memref<6x256xf32, #tpu.memory_space<vmem>>, vector<1x256xf32>
    %add3A_157 = arith.addf %get3A_153, %get3A_156 : vector<1x256xf32>
    %get3A_158 = arith.constant 1 : index
    %get3A_159 = arith.constant 0 : index
    %get3A_160 = vector.load %arg3[%get3A_158, %get3A_159] : memref<2x256xf32, #tpu.memory_space<vmem>>, vector<1x256xf32>
    %add3A_161 = arith.addf %add3A_157, %get3A_160 : vector<1x256xf32>
    %swap3A_162 = arith.constant 11 : index
    %swap3A_163 = arith.constant 0 : index
    %swap3A_164 = vector.load %arg4[%swap3A_162, %swap3A_163] : memref<64x256xf32, #tpu.memory_space<vmem>>, vector<1x256xf32>
    tpu.vector_store %arg4[%swap3A_162, %swap3A_163], %add3A_161 {strides = array<i32>} : memref<64x256xf32, #tpu.memory_space<vmem>>, vector<1x256xf32>,
    %get3A_165 = arith.constant 1 : index
    %get3A_166 = arith.constant 0 : index
    %get3A_167 = vector.load %arg1[%get3A_165, %get3A_166] : memref<5x256xf32, #tpu.memory_space<vmem>>, vector<1x256xf32>
    %get3A_168 = arith.constant 0 : index
    %get3A_169 = arith.constant 0 : index
    %get3A_170 = vector.load %arg2[%get3A_168, %get3A_169] : memref<6x256xf32, #tpu.memory_space<vmem>>, vector<1x256xf32>
    %add3A_171 = arith.addf %get3A_167, %get3A_170 : vector<1x256xf32>
    %get3A_172 = arith.constant 0 : index
    %get3A_173 = arith.constant 0 : index
    %get3A_174 = vector.load %arg3[%get3A_172, %get3A_173] : memref<2x256xf32, #tpu.memory_space<vmem>>, vector<1x256xf32>
    %add3A_175 = arith.addf %add3A_171, %get3A_174 : vector<1x256xf32>
    %swap3A_176 = arith.constant 12 : index
    %swap3A_177 = arith.constant 0 : index
    %swap3A_178 = vector.load %arg4[%swap3A_176, %swap3A_177] : memref<64x256xf32, #tpu.memory_space<vmem>>, vector<1x256xf32>
    tpu.vector_store %arg4[%swap3A_176, %swap3A_177], %add3A_175 {strides = array<i32>} : memref<64x256xf32, #tpu.memory_space<vmem>>, vector<1x256xf32>,
    %get3A_179 = arith.constant 1 : index
    %get3A_180 = arith.constant 0 : index
    %get3A_181 = vector.load %arg1[%get3A_179, %get3A_180] : memref<5x256xf32, #tpu.memory_space<vmem>>, vector<1x256xf32>
    %get3A_182 = arith.constant 0 : index
    %get3A_183 = arith.constant 0 : index
    %get3A_184 = vector.load %arg2[%get3A_182, %get3A_183] : memref<6x256xf32, #tpu.memory_space<vmem>>, vector<1x256xf32>
    %add3A_185 = arith.addf %get3A_181, %get3A_184 : vector<1x256xf32>
    %get3A_186 = arith.constant 1 : index
    %get3A_187 = arith.constant 0 : index
    %get3A_188 = vector.load %arg3[%get3A_186, %get3A_187] : memref<2x256xf32, #tpu.memory_space<vmem>>, vector<1x256xf32>
    %add3A_189 = arith.addf %add3A_185, %get3A_188 : vector<1x256xf32>
    %swap3A_190 = arith.constant 13 : index
    %swap3A_191 = arith.constant 0 : index
    %swap3A_192 = vector.load %arg4[%swap3A_190, %swap3A_191] : memref<64x256xf32, #tpu.memory_space<vmem>>, vector<1x256xf32>
    tpu.vector_store %arg4[%swap3A_190, %swap3A_191], %add3A_189 {strides = array<i32>} : memref<64x256xf32, #tpu.memory_space<vmem>>, vector<1x256xf32>,
    %get3A_193 = arith.constant 1 : index
    %get3A_194 = arith.constant 0 : index
    %get3A_195 = vector.load %arg1[%get3A_193, %get3A_194] : memref<5x256xf32, #tpu.memory_space<vmem>>, vector<1x256xf32>
    %get3A_196 = arith.constant 1 : index
    %get3A_197 = arith.constant 0 : index
    %get3A_198 = vector.load %arg2[%get3A_196, %get3A_197] : memref<6x256xf32, #tpu.memory_space<vmem>>, vector<1x256xf32>
    %add3A_199 = arith.addf %get3A_195, %get3A_198 : vector<1x256xf32>
    %get3A_200 = arith.constant 0 : index
    %get3A_201 = arith.constant 0 : index
    %get3A_202 = vector.load %arg3[%get3A_200, %get3A_201] : memref<2x256xf32, #tpu.memory_space<vmem>>, vector<1x256xf32>
    %add3A_203 = arith.addf %add3A_199, %get3A_202 : vector<1x256xf32>
    %swap3A_204 = arith.constant 14 : index
    %swap3A_205 = arith.constant 0 : index
    %swap3A_206 = vector.load %arg4[%swap3A_204, %swap3A_205] : memref<64x256xf32, #tpu.memory_space<vmem>>, vector<1x256xf32>
    tpu.vector_store %arg4[%swap3A_204, %swap3A_205], %add3A_203 {strides = array<i32>} : memref<64x256xf32, #tpu.memory_space<vmem>>, vector<1x256xf32>,
    %get3A_207 = arith.constant 1 : index
    %get3A_208 = arith.constant 0 : index
    %get3A_209 = vector.load %arg1[%get3A_207, %get3A_208] : memref<5x256xf32, #tpu.memory_space<vmem>>, vector<1x256xf32>
    %get3A_210 = arith.constant 1 : index
    %get3A_211 = arith.constant 0 : index
    %get3A_212 = vector.load %arg2[%get3A_210, %get3A_211] : memref<6x256xf32, #tpu.memory_space<vmem>>, vector<1x256xf32>
    %add3A_213 = arith.addf %get3A_209, %get3A_212 : vector<1x256xf32>
    %get3A_214 = arith.constant 1 : index
    %get3A_215 = arith.constant 0 : index
    %get3A_216 = vector.load %arg3[%get3A_214, %get3A_215] : memref<2x256xf32, #tpu.memory_space<vmem>>, vector<1x256xf32>
    %add3A_217 = arith.addf %add3A_213, %get3A_216 : vector<1x256xf32>
    %swap3A_218 = arith.constant 15 : index
    %swap3A_219 = arith.constant 0 : index
    %swap3A_220 = vector.load %arg4[%swap3A_218, %swap3A_219] : memref<64x256xf32, #tpu.memory_space<vmem>>, vector<1x256xf32>
    tpu.vector_store %arg4[%swap3A_218, %swap3A_219], %add3A_217 {strides = array<i32>} : memref<64x256xf32, #tpu.memory_space<vmem>>, vector<1x256xf32>,
    %get3A_221 = arith.constant 1 : index
    %get3A_222 = arith.constant 0 : index
    %get3A_223 = vector.load %arg1[%get3A_221, %get3A_222] : memref<5x256xf32, #tpu.memory_space<vmem>>, vector<1x256xf32>
    %get3A_224 = arith.constant 2 : index
    %get3A_225 = arith.constant 0 : index
    %get3A_226 = vector.load %arg2[%get3A_224, %get3A_225] : memref<6x256xf32, #tpu.memory_space<vmem>>, vector<1x256xf32>
    %add3A_227 = arith.addf %get3A_223, %get3A_226 : vector<1x256xf32>
    %get3A_228 = arith.constant 0 : index
    %get3A_229 = arith.constant 0 : index
    %get3A_230 = vector.load %arg3[%get3A_228, %get3A_229] : memref<2x256xf32, #tpu.memory_space<vmem>>, vector<1x256xf32>
    %add3A_231 = arith.addf %add3A_227, %get3A_230 : vector<1x256xf32>
    %swap3A_232 = arith.constant 16 : index
    %swap3A_233 = arith.constant 0 : index
    %swap3A_234 = vector.load %arg4[%swap3A_232, %swap3A_233] : memref<64x256xf32, #tpu.memory_space<vmem>>, vector<1x256xf32>
    tpu.vector_store %arg4[%swap3A_232, %swap3A_233], %add3A_231 {strides = array<i32>} : memref<64x256xf32, #tpu.memory_space<vmem>>, vector<1x256xf32>,
    %get3A_235 = arith.constant 1 : index
    %get3A_236 = arith.constant 0 : index
    %get3A_237 = vector.load %arg1[%get3A_235, %get3A_236] : memref<5x256xf32, #tpu.memory_space<vmem>>, vector<1x256xf32>
    %get3A_238 = arith.constant 2 : index
    %get3A_239 = arith.constant 0 : index
    %get3A_240 = vector.load %arg2[%get3A_238, %get3A_239] : memref<6x256xf32, #tpu.memory_space<vmem>>, vector<1x256xf32>
    %add3A_241 = arith.addf %get3A_237, %get3A_240 : vector<1x256xf32>
    %get3A_242 = arith.constant 1 : index
    %get3A_243 = arith.constant 0 : index
    %get3A_244 = vector.load %arg3[%get3A_242, %get3A_243] : memref<2x256xf32, #tpu.memory_space<vmem>>, vector<1x256xf32>
    %add3A_245 = arith.addf %add3A_241, %get3A_244 : vector<1x256xf32>
    %swap3A_246 = arith.constant 17 : index
    %swap3A_247 = arith.constant 0 : index
    %swap3A_248 = vector.load %arg4[%swap3A_246, %swap3A_247] : memref<64x256xf32, #tpu.memory_space<vmem>>, vector<1x256xf32>
    tpu.vector_store %arg4[%swap3A_246, %swap3A_247], %add3A_245 {strides = array<i32>} : memref<64x256xf32, #tpu.memory_space<vmem>>, vector<1x256xf32>,
    %get3A_249 = arith.constant 1 : index
    %get3A_250 = arith.constant 0 : index
    %get3A_251 = vector.load %arg1[%get3A_249, %get3A_250] : memref<5x256xf32, #tpu.memory_space<vmem>>, vector<1x256xf32>
    %get3A_252 = arith.constant 3 : index
    %get3A_253 = arith.constant 0 : index
    %get3A_254 = vector.load %arg2[%get3A_252, %get3A_253] : memref<6x256xf32, #tpu.memory_space<vmem>>, vector<1x256xf32>
    %add3A_255 = arith.addf %get3A_251, %get3A_254 : vector<1x256xf32>
    %get3A_256 = arith.constant 0 : index
    %get3A_257 = arith.constant 0 : index
    %get3A_258 = vector.load %arg3[%get3A_256, %get3A_257] : memref<2x256xf32, #tpu.memory_space<vmem>>, vector<1x256xf32>
    %add3A_259 = arith.addf %add3A_255, %get3A_258 : vector<1x256xf32>
    %swap3A_260 = arith.constant 18 : index
    %swap3A_261 = arith.constant 0 : index
    %swap3A_262 = vector.load %arg4[%swap3A_260, %swap3A_261] : memref<64x256xf32, #tpu.memory_space<vmem>>, vector<1x256xf32>
    tpu.vector_store %arg4[%swap3A_260, %swap3A_261], %add3A_259 {strides = array<i32>} : memref<64x256xf32, #tpu.memory_space<vmem>>, vector<1x256xf32>,
    %get3A_263 = arith.constant 1 : index
    %get3A_264 = arith.constant 0 : index
    %get3A_265 = vector.load %arg1[%get3A_263, %get3A_264] : memref<5x256xf32, #tpu.memory_space<vmem>>, vector<1x256xf32>
    %get3A_266 = arith.constant 3 : index
    %get3A_267 = arith.constant 0 : index
    %get3A_268 = vector.load %arg2[%get3A_266, %get3A_267] : memref<6x256xf32, #tpu.memory_space<vmem>>, vector<1x256xf32>
    %add3A_269 = arith.addf %get3A_265, %get3A_268 : vector<1x256xf32>
    %get3A_270 = arith.constant 1 : index
    %get3A_271 = arith.constant 0 : index
    %get3A_272 = vector.load %arg3[%get3A_270, %get3A_271] : memref<2x256xf32, #tpu.memory_space<vmem>>, vector<1x256xf32>
    %add3A_273 = arith.addf %add3A_269, %get3A_272 : vector<1x256xf32>
    %swap3A_274 = arith.constant 19 : index
    %swap3A_275 = arith.constant 0 : index
    %swap3A_276 = vector.load %arg4[%swap3A_274, %swap3A_275] : memref<64x256xf32, #tpu.memory_space<vmem>>, vector<1x256xf32>
    tpu.vector_store %arg4[%swap3A_274, %swap3A_275], %add3A_273 {strides = array<i32>} : memref<64x256xf32, #tpu.memory_space<vmem>>, vector<1x256xf32>,
    %get3A_277 = arith.constant 1 : index
    %get3A_278 = arith.constant 0 : index
    %get3A_279 = vector.load %arg1[%get3A_277, %get3A_278] : memref<5x256xf32, #tpu.memory_space<vmem>>, vector<1x256xf32>
    %get3A_280 = arith.constant 4 : index
    %get3A_281 = arith.constant 0 : index
    %get3A_282 = vector.load %arg2[%get3A_280, %get3A_281] : memref<6x256xf32, #tpu.memory_space<vmem>>, vector<1x256xf32>
    %add3A_283 = arith.addf %get3A_279, %get3A_282 : vector<1x256xf32>
    %get3A_284 = arith.constant 0 : index
    %get3A_285 = arith.constant 0 : index
    %get3A_286 = vector.load %arg3[%get3A_284, %get3A_285] : memref<2x256xf32, #tpu.memory_space<vmem>>, vector<1x256xf32>
    %add3A_287 = arith.addf %add3A_283, %get3A_286 : vector<1x256xf32>
    %swap3A_288 = arith.constant 20 : index
    %swap3A_289 = arith.constant 0 : index
    %swap3A_290 = vector.load %arg4[%swap3A_288, %swap3A_289] : memref<64x256xf32, #tpu.memory_space<vmem>>, vector<1x256xf32>
    tpu.vector_store %arg4[%swap3A_288, %swap3A_289], %add3A_287 {strides = array<i32>} : memref<64x256xf32, #tpu.memory_space<vmem>>, vector<1x256xf32>,
    %get3A_291 = arith.constant 1 : index
    %get3A_292 = arith.constant 0 : index
    %get3A_293 = vector.load %arg1[%get3A_291, %get3A_292] : memref<5x256xf32, #tpu.memory_space<vmem>>, vector<1x256xf32>
    %get3A_294 = arith.constant 4 : index
    %get3A_295 = arith.constant 0 : index
    %get3A_296 = vector.load %arg2[%get3A_294, %get3A_295] : memref<6x256xf32, #tpu.memory_space<vmem>>, vector<1x256xf32>
    %add3A_297 = arith.addf %get3A_293, %get3A_296 : vector<1x256xf32>
    %get3A_298 = arith.constant 1 : index
    %get3A_299 = arith.constant 0 : index
    %get3A_300 = vector.load %arg3[%get3A_298, %get3A_299] : memref<2x256xf32, #tpu.memory_space<vmem>>, vector<1x256xf32>
    %add3A_301 = arith.addf %add3A_297, %get3A_300 : vector<1x256xf32>
    %swap3A_302 = arith.constant 21 : index
    %swap3A_303 = arith.constant 0 : index
    %swap3A_304 = vector.load %arg4[%swap3A_302, %swap3A_303] : memref<64x256xf32, #tpu.memory_space<vmem>>, vector<1x256xf32>
    tpu.vector_store %arg4[%swap3A_302, %swap3A_303], %add3A_301 {strides = array<i32>} : memref<64x256xf32, #tpu.memory_space<vmem>>, vector<1x256xf32>,
    %get3A_305 = arith.constant 1 : index
    %get3A_306 = arith.constant 0 : index
    %get3A_307 = vector.load %arg1[%get3A_305, %get3A_306] : memref<5x256xf32, #tpu.memory_space<vmem>>, vector<1x256xf32>
    %get3A_308 = arith.constant 5 : index
    %get3A_309 = arith.constant 0 : index
    %get3A_310 = vector.load %arg2[%get3A_308, %get3A_309] : memref<6x256xf32, #tpu.memory_space<vmem>>, vector<1x256xf32>
    %add3A_311 = arith.addf %get3A_307, %get3A_310 : vector<1x256xf32>
    %get3A_312 = arith.constant 0 : index
    %get3A_313 = arith.constant 0 : index
    %get3A_314 = vector.load %arg3[%get3A_312, %get3A_313] : memref<2x256xf32, #tpu.memory_space<vmem>>, vector<1x256xf32>
    %add3A_315 = arith.addf %add3A_311, %get3A_314 : vector<1x256xf32>
    %swap3A_316 = arith.constant 22 : index
    %swap3A_317 = arith.constant 0 : index
    %swap3A_318 = vector.load %arg4[%swap3A_316, %swap3A_317] : memref<64x256xf32, #tpu.memory_space<vmem>>, vector<1x256xf32>
    tpu.vector_store %arg4[%swap3A_316, %swap3A_317], %add3A_315 {strides = array<i32>} : memref<64x256xf32, #tpu.memory_space<vmem>>, vector<1x256xf32>,
    %get3A_319 = arith.constant 1 : index
    %get3A_320 = arith.constant 0 : index
    %get3A_321 = vector.load %arg1[%get3A_319, %get3A_320] : memref<5x256xf32, #tpu.memory_space<vmem>>, vector<1x256xf32>
    %get3A_322 = arith.constant 5 : index
    %get3A_323 = arith.constant 0 : index
    %get3A_324 = vector.load %arg2[%get3A_322, %get3A_323] : memref<6x256xf32, #tpu.memory_space<vmem>>, vector<1x256xf32>
    %add3A_325 = arith.addf %get3A_321, %get3A_324 : vector<1x256xf32>
    %get3A_326 = arith.constant 1 : index
    %get3A_327 = arith.constant 0 : index
    %get3A_328 = vector.load %arg3[%get3A_326, %get3A_327] : memref<2x256xf32, #tpu.memory_space<vmem>>, vector<1x256xf32>
    %add3A_329 = arith.addf %add3A_325, %get3A_328 : vector<1x256xf32>
    %swap3A_330 = arith.constant 23 : index
    %swap3A_331 = arith.constant 0 : index
    %swap3A_332 = vector.load %arg4[%swap3A_330, %swap3A_331] : memref<64x256xf32, #tpu.memory_space<vmem>>, vector<1x256xf32>
    tpu.vector_store %arg4[%swap3A_330, %swap3A_331], %add3A_329 {strides = array<i32>} : memref<64x256xf32, #tpu.memory_space<vmem>>, vector<1x256xf32>,
    %get3A_333 = arith.constant 2 : index
    %get3A_334 = arith.constant 0 : index
    %get3A_335 = vector.load %arg1[%get3A_333, %get3A_334] : memref<5x256xf32, #tpu.memory_space<vmem>>, vector<1x256xf32>
    %get3A_336 = arith.constant 0 : index
    %get3A_337 = arith.constant 0 : index
    %get3A_338 = vector.load %arg2[%get3A_336, %get3A_337] : memref<6x256xf32, #tpu.memory_space<vmem>>, vector<1x256xf32>
    %add3A_339 = arith.addf %get3A_335, %get3A_338 : vector<1x256xf32>
    %get3A_340 = arith.constant 0 : index
    %get3A_341 = arith.constant 0 : index
    %get3A_342 = vector.load %arg3[%get3A_340, %get3A_341] : memref<2x256xf32, #tpu.memory_space<vmem>>, vector<1x256xf32>
    %add3A_343 = arith.addf %add3A_339, %get3A_342 : vector<1x256xf32>
    %swap3A_344 = arith.constant 24 : index
    %swap3A_345 = arith.constant 0 : index
    %swap3A_346 = vector.load %arg4[%swap3A_344, %swap3A_345] : memref<64x256xf32, #tpu.memory_space<vmem>>, vector<1x256xf32>
    tpu.vector_store %arg4[%swap3A_344, %swap3A_345], %add3A_343 {strides = array<i32>} : memref<64x256xf32, #tpu.memory_space<vmem>>, vector<1x256xf32>,
    %get3A_347 = arith.constant 2 : index
    %get3A_348 = arith.constant 0 : index
    %get3A_349 = vector.load %arg1[%get3A_347, %get3A_348] : memref<5x256xf32, #tpu.memory_space<vmem>>, vector<1x256xf32>
    %get3A_350 = arith.constant 0 : index
    %get3A_351 = arith.constant 0 : index
    %get3A_352 = vector.load %arg2[%get3A_350, %get3A_351] : memref<6x256xf32, #tpu.memory_space<vmem>>, vector<1x256xf32>
    %add3A_353 = arith.addf %get3A_349, %get3A_352 : vector<1x256xf32>
    %get3A_354 = arith.constant 1 : index
    %get3A_355 = arith.constant 0 : index
    %get3A_356 = vector.load %arg3[%get3A_354, %get3A_355] : memref<2x256xf32, #tpu.memory_space<vmem>>, vector<1x256xf32>
    %add3A_357 = arith.addf %add3A_353, %get3A_356 : vector<1x256xf32>
    %swap3A_358 = arith.constant 25 : index
    %swap3A_359 = arith.constant 0 : index
    %swap3A_360 = vector.load %arg4[%swap3A_358, %swap3A_359] : memref<64x256xf32, #tpu.memory_space<vmem>>, vector<1x256xf32>
    tpu.vector_store %arg4[%swap3A_358, %swap3A_359], %add3A_357 {strides = array<i32>} : memref<64x256xf32, #tpu.memory_space<vmem>>, vector<1x256xf32>,
    %get3A_361 = arith.constant 2 : index
    %get3A_362 = arith.constant 0 : index
    %get3A_363 = vector.load %arg1[%get3A_361, %get3A_362] : memref<5x256xf32, #tpu.memory_space<vmem>>, vector<1x256xf32>
    %get3A_364 = arith.constant 1 : index
    %get3A_365 = arith.constant 0 : index
    %get3A_366 = vector.load %arg2[%get3A_364, %get3A_365] : memref<6x256xf32, #tpu.memory_space<vmem>>, vector<1x256xf32>
    %add3A_367 = arith.addf %get3A_363, %get3A_366 : vector<1x256xf32>
    %get3A_368 = arith.constant 0 : index
    %get3A_369 = arith.constant 0 : index
    %get3A_370 = vector.load %arg3[%get3A_368, %get3A_369] : memref<2x256xf32, #tpu.memory_space<vmem>>, vector<1x256xf32>
    %add3A_371 = arith.addf %add3A_367, %get3A_370 : vector<1x256xf32>
    %swap3A_372 = arith.constant 26 : index
    %swap3A_373 = arith.constant 0 : index
    %swap3A_374 = vector.load %arg4[%swap3A_372, %swap3A_373] : memref<64x256xf32, #tpu.memory_space<vmem>>, vector<1x256xf32>
    tpu.vector_store %arg4[%swap3A_372, %swap3A_373], %add3A_371 {strides = array<i32>} : memref<64x256xf32, #tpu.memory_space<vmem>>, vector<1x256xf32>,
    %get3A_375 = arith.constant 2 : index
    %get3A_376 = arith.constant 0 : index
    %get3A_377 = vector.load %arg1[%get3A_375, %get3A_376] : memref<5x256xf32, #tpu.memory_space<vmem>>, vector<1x256xf32>
    %get3A_378 = arith.constant 1 : index
    %get3A_379 = arith.constant 0 : index
    %get3A_380 = vector.load %arg2[%get3A_378, %get3A_379] : memref<6x256xf32, #tpu.memory_space<vmem>>, vector<1x256xf32>
    %add3A_381 = arith.addf %get3A_377, %get3A_380 : vector<1x256xf32>
    %get3A_382 = arith.constant 1 : index
    %get3A_383 = arith.constant 0 : index
    %get3A_384 = vector.load %arg3[%get3A_382, %get3A_383] : memref<2x256xf32, #tpu.memory_space<vmem>>, vector<1x256xf32>
    %add3A_385 = arith.addf %add3A_381, %get3A_384 : vector<1x256xf32>
    %swap3A_386 = arith.constant 27 : index
    %swap3A_387 = arith.constant 0 : index
    %swap3A_388 = vector.load %arg4[%swap3A_386, %swap3A_387] : memref<64x256xf32, #tpu.memory_space<vmem>>, vector<1x256xf32>
    tpu.vector_store %arg4[%swap3A_386, %swap3A_387], %add3A_385 {strides = array<i32>} : memref<64x256xf32, #tpu.memory_space<vmem>>, vector<1x256xf32>,
    %get3A_389 = arith.constant 2 : index
    %get3A_390 = arith.constant 0 : index
    %get3A_391 = vector.load %arg1[%get3A_389, %get3A_390] : memref<5x256xf32, #tpu.memory_space<vmem>>, vector<1x256xf32>
    %get3A_392 = arith.constant 2 : index
    %get3A_393 = arith.constant 0 : index
    %get3A_394 = vector.load %arg2[%get3A_392, %get3A_393] : memref<6x256xf32, #tpu.memory_space<vmem>>, vector<1x256xf32>
    %add3A_395 = arith.addf %get3A_391, %get3A_394 : vector<1x256xf32>
    %get3A_396 = arith.constant 0 : index
    %get3A_397 = arith.constant 0 : index
    %get3A_398 = vector.load %arg3[%get3A_396, %get3A_397] : memref<2x256xf32, #tpu.memory_space<vmem>>, vector<1x256xf32>
    %add3A_399 = arith.addf %add3A_395, %get3A_398 : vector<1x256xf32>
    %swap3A_400 = arith.constant 28 : index
    %swap3A_401 = arith.constant 0 : index
    %swap3A_402 = vector.load %arg4[%swap3A_400, %swap3A_401] : memref<64x256xf32, #tpu.memory_space<vmem>>, vector<1x256xf32>
    tpu.vector_store %arg4[%swap3A_400, %swap3A_401], %add3A_399 {strides = array<i32>} : memref<64x256xf32, #tpu.memory_space<vmem>>, vector<1x256xf32>,
    %get3A_403 = arith.constant 2 : index
    %get3A_404 = arith.constant 0 : index
    %get3A_405 = vector.load %arg1[%get3A_403, %get3A_404] : memref<5x256xf32, #tpu.memory_space<vmem>>, vector<1x256xf32>
    %get3A_406 = arith.constant 2 : index
    %get3A_407 = arith.constant 0 : index
    %get3A_408 = vector.load %arg2[%get3A_406, %get3A_407] : memref<6x256xf32, #tpu.memory_space<vmem>>, vector<1x256xf32>
    %add3A_409 = arith.addf %get3A_405, %get3A_408 : vector<1x256xf32>
    %get3A_410 = arith.constant 1 : index
    %get3A_411 = arith.constant 0 : index
    %get3A_412 = vector.load %arg3[%get3A_410, %get3A_411] : memref<2x256xf32, #tpu.memory_space<vmem>>, vector<1x256xf32>
    %add3A_413 = arith.addf %add3A_409, %get3A_412 : vector<1x256xf32>
    %swap3A_414 = arith.constant 29 : index
    %swap3A_415 = arith.constant 0 : index
    %swap3A_416 = vector.load %arg4[%swap3A_414, %swap3A_415] : memref<64x256xf32, #tpu.memory_space<vmem>>, vector<1x256xf32>
    tpu.vector_store %arg4[%swap3A_414, %swap3A_415], %add3A_413 {strides = array<i32>} : memref<64x256xf32, #tpu.memory_space<vmem>>, vector<1x256xf32>,
    %get3A_417 = arith.constant 2 : index
    %get3A_418 = arith.constant 0 : index
    %get3A_419 = vector.load %arg1[%get3A_417, %get3A_418] : memref<5x256xf32, #tpu.memory_space<vmem>>, vector<1x256xf32>
    %get3A_420 = arith.constant 3 : index
    %get3A_421 = arith.constant 0 : index
    %get3A_422 = vector.load %arg2[%get3A_420, %get3A_421] : memref<6x256xf32, #tpu.memory_space<vmem>>, vector<1x256xf32>
    %add3A_423 = arith.addf %get3A_419, %get3A_422 : vector<1x256xf32>
    %get3A_424 = arith.constant 0 : index
    %get3A_425 = arith.constant 0 : index
    %get3A_426 = vector.load %arg3[%get3A_424, %get3A_425] : memref<2x256xf32, #tpu.memory_space<vmem>>, vector<1x256xf32>
    %add3A_427 = arith.addf %add3A_423, %get3A_426 : vector<1x256xf32>
    %swap3A_428 = arith.constant 30 : index
    %swap3A_429 = arith.constant 0 : index
    %swap3A_430 = vector.load %arg4[%swap3A_428, %swap3A_429] : memref<64x256xf32, #tpu.memory_space<vmem>>, vector<1x256xf32>
    tpu.vector_store %arg4[%swap3A_428, %swap3A_429], %add3A_427 {strides = array<i32>} : memref<64x256xf32, #tpu.memory_space<vmem>>, vector<1x256xf32>,
    %get3A_431 = arith.constant 2 : index
    %get3A_432 = arith.constant 0 : index
    %get3A_433 = vector.load %arg1[%get3A_431, %get3A_432] : memref<5x256xf32, #tpu.memory_space<vmem>>, vector<1x256xf32>
    %get3A_434 = arith.constant 3 : index
    %get3A_435 = arith.constant 0 : index
    %get3A_436 = vector.load %arg2[%get3A_434, %get3A_435] : memref<6x256xf32, #tpu.memory_space<vmem>>, vector<1x256xf32>
    %add3A_437 = arith.addf %get3A_433, %get3A_436 : vector<1x256xf32>
    %get3A_438 = arith.constant 1 : index
    %get3A_439 = arith.constant 0 : index
    %get3A_440 = vector.load %arg3[%get3A_438, %get3A_439] : memref<2x256xf32, #tpu.memory_space<vmem>>, vector<1x256xf32>
    %add3A_441 = arith.addf %add3A_437, %get3A_440 : vector<1x256xf32>
    %swap3A_442 = arith.constant 31 : index
    %swap3A_443 = arith.constant 0 : index
    %swap3A_444 = vector.load %arg4[%swap3A_442, %swap3A_443] : memref<64x256xf32, #tpu.memory_space<vmem>>, vector<1x256xf32>
    tpu.vector_store %arg4[%swap3A_442, %swap3A_443], %add3A_441 {strides = array<i32>} : memref<64x256xf32, #tpu.memory_space<vmem>>, vector<1x256xf32>,
    %get3A_445 = arith.constant 2 : index
    %get3A_446 = arith.constant 0 : index
    %get3A_447 = vector.load %arg1[%get3A_445, %get3A_446] : memref<5x256xf32, #tpu.memory_space<vmem>>, vector<1x256xf32>
    %get3A_448 = arith.constant 4 : index
    %get3A_449 = arith.constant 0 : index
    %get3A_450 = vector.load %arg2[%get3A_448, %get3A_449] : memref<6x256xf32, #tpu.memory_space<vmem>>, vector<1x256xf32>
    %add3A_451 = arith.addf %get3A_447, %get3A_450 : vector<1x256xf32>
    %get3A_452 = arith.constant 0 : index
    %get3A_453 = arith.constant 0 : index
    %get3A_454 = vector.load %arg3[%get3A_452, %get3A_453] : memref<2x256xf32, #tpu.memory_space<vmem>>, vector<1x256xf32>
    %add3A_455 = arith.addf %add3A_451, %get3A_454 : vector<1x256xf32>
    %swap3A_456 = arith.constant 32 : index
    %swap3A_457 = arith.constant 0 : index
    %swap3A_458 = vector.load %arg4[%swap3A_456, %swap3A_457] : memref<64x256xf32, #tpu.memory_space<vmem>>, vector<1x256xf32>
    tpu.vector_store %arg4[%swap3A_456, %swap3A_457], %add3A_455 {strides = array<i32>} : memref<64x256xf32, #tpu.memory_space<vmem>>, vector<1x256xf32>,
    %get3A_459 = arith.constant 2 : index
    %get3A_460 = arith.constant 0 : index
    %get3A_461 = vector.load %arg1[%get3A_459, %get3A_460] : memref<5x256xf32, #tpu.memory_space<vmem>>, vector<1x256xf32>
    %get3A_462 = arith.constant 4 : index
    %get3A_463 = arith.constant 0 : index
    %get3A_464 = vector.load %arg2[%get3A_462, %get3A_463] : memref<6x256xf32, #tpu.memory_space<vmem>>, vector<1x256xf32>
    %add3A_465 = arith.addf %get3A_461, %get3A_464 : vector<1x256xf32>
    %get3A_466 = arith.constant 1 : index
    %get3A_467 = arith.constant 0 : index
    %get3A_468 = vector.load %arg3[%get3A_466, %get3A_467] : memref<2x256xf32, #tpu.memory_space<vmem>>, vector<1x256xf32>
    %add3A_469 = arith.addf %add3A_465, %get3A_468 : vector<1x256xf32>
    %swap3A_470 = arith.constant 33 : index
    %swap3A_471 = arith.constant 0 : index
    %swap3A_472 = vector.load %arg4[%swap3A_470, %swap3A_471] : memref<64x256xf32, #tpu.memory_space<vmem>>, vector<1x256xf32>
    tpu.vector_store %arg4[%swap3A_470, %swap3A_471], %add3A_469 {strides = array<i32>} : memref<64x256xf32, #tpu.memory_space<vmem>>, vector<1x256xf32>,
    %get3A_473 = arith.constant 2 : index
    %get3A_474 = arith.constant 0 : index
    %get3A_475 = vector.load %arg1[%get3A_473, %get3A_474] : memref<5x256xf32, #tpu.memory_space<vmem>>, vector<1x256xf32>
    %get3A_476 = arith.constant 5 : index
    %get3A_477 = arith.constant 0 : index
    %get3A_478 = vector.load %arg2[%get3A_476, %get3A_477] : memref<6x256xf32, #tpu.memory_space<vmem>>, vector<1x256xf32>
    %add3A_479 = arith.addf %get3A_475, %get3A_478 : vector<1x256xf32>
    %get3A_480 = arith.constant 0 : index
    %get3A_481 = arith.constant 0 : index
    %get3A_482 = vector.load %arg3[%get3A_480, %get3A_481] : memref<2x256xf32, #tpu.memory_space<vmem>>, vector<1x256xf32>
    %add3A_483 = arith.addf %add3A_479, %get3A_482 : vector<1x256xf32>
    %swap3A_484 = arith.constant 34 : index
    %swap3A_485 = arith.constant 0 : index
    %swap3A_486 = vector.load %arg4[%swap3A_484, %swap3A_485] : memref<64x256xf32, #tpu.memory_space<vmem>>, vector<1x256xf32>
    tpu.vector_store %arg4[%swap3A_484, %swap3A_485], %add3A_483 {strides = array<i32>} : memref<64x256xf32, #tpu.memory_space<vmem>>, vector<1x256xf32>,
    %get3A_487 = arith.constant 2 : index
    %get3A_488 = arith.constant 0 : index
    %get3A_489 = vector.load %arg1[%get3A_487, %get3A_488] : memref<5x256xf32, #tpu.memory_space<vmem>>, vector<1x256xf32>
    %get3A_490 = arith.constant 5 : index
    %get3A_491 = arith.constant 0 : index
    %get3A_492 = vector.load %arg2[%get3A_490, %get3A_491] : memref<6x256xf32, #tpu.memory_space<vmem>>, vector<1x256xf32>
    %add3A_493 = arith.addf %get3A_489, %get3A_492 : vector<1x256xf32>
    %get3A_494 = arith.constant 1 : index
    %get3A_495 = arith.constant 0 : index
    %get3A_496 = vector.load %arg3[%get3A_494, %get3A_495] : memref<2x256xf32, #tpu.memory_space<vmem>>, vector<1x256xf32>
    %add3A_497 = arith.addf %add3A_493, %get3A_496 : vector<1x256xf32>
    %swap3A_498 = arith.constant 35 : index
    %swap3A_499 = arith.constant 0 : index
    %swap3A_500 = vector.load %arg4[%swap3A_498, %swap3A_499] : memref<64x256xf32, #tpu.memory_space<vmem>>, vector<1x256xf32>
    tpu.vector_store %arg4[%swap3A_498, %swap3A_499], %add3A_497 {strides = array<i32>} : memref<64x256xf32, #tpu.memory_space<vmem>>, vector<1x256xf32>,
    %get3A_501 = arith.constant 3 : index
    %get3A_502 = arith.constant 0 : index
    %get3A_503 = vector.load %arg1[%get3A_501, %get3A_502] : memref<5x256xf32, #tpu.memory_space<vmem>>, vector<1x256xf32>
    %get3A_504 = arith.constant 0 : index
    %get3A_505 = arith.constant 0 : index
    %get3A_506 = vector.load %arg2[%get3A_504, %get3A_505] : memref<6x256xf32, #tpu.memory_space<vmem>>, vector<1x256xf32>
    %add3A_507 = arith.addf %get3A_503, %get3A_506 : vector<1x256xf32>
    %get3A_508 = arith.constant 0 : index
    %get3A_509 = arith.constant 0 : index
    %get3A_510 = vector.load %arg3[%get3A_508, %get3A_509] : memref<2x256xf32, #tpu.memory_space<vmem>>, vector<1x256xf32>
    %add3A_511 = arith.addf %add3A_507, %get3A_510 : vector<1x256xf32>
    %swap3A_512 = arith.constant 36 : index
    %swap3A_513 = arith.constant 0 : index
    %swap3A_514 = vector.load %arg4[%swap3A_512, %swap3A_513] : memref<64x256xf32, #tpu.memory_space<vmem>>, vector<1x256xf32>
    tpu.vector_store %arg4[%swap3A_512, %swap3A_513], %add3A_511 {strides = array<i32>} : memref<64x256xf32, #tpu.memory_space<vmem>>, vector<1x256xf32>,
    %get3A_515 = arith.constant 3 : index
    %get3A_516 = arith.constant 0 : index
    %get3A_517 = vector.load %arg1[%get3A_515, %get3A_516] : memref<5x256xf32, #tpu.memory_space<vmem>>, vector<1x256xf32>
    %get3A_518 = arith.constant 0 : index
    %get3A_519 = arith.constant 0 : index
    %get3A_520 = vector.load %arg2[%get3A_518, %get3A_519] : memref<6x256xf32, #tpu.memory_space<vmem>>, vector<1x256xf32>
    %add3A_521 = arith.addf %get3A_517, %get3A_520 : vector<1x256xf32>
    %get3A_522 = arith.constant 1 : index
    %get3A_523 = arith.constant 0 : index
    %get3A_524 = vector.load %arg3[%get3A_522, %get3A_523] : memref<2x256xf32, #tpu.memory_space<vmem>>, vector<1x256xf32>
    %add3A_525 = arith.addf %add3A_521, %get3A_524 : vector<1x256xf32>
    %swap3A_526 = arith.constant 37 : index
    %swap3A_527 = arith.constant 0 : index
    %swap3A_528 = vector.load %arg4[%swap3A_526, %swap3A_527] : memref<64x256xf32, #tpu.memory_space<vmem>>, vector<1x256xf32>
    tpu.vector_store %arg4[%swap3A_526, %swap3A_527], %add3A_525 {strides = array<i32>} : memref<64x256xf32, #tpu.memory_space<vmem>>, vector<1x256xf32>,
    %get3A_529 = arith.constant 3 : index
    %get3A_530 = arith.constant 0 : index
    %get3A_531 = vector.load %arg1[%get3A_529, %get3A_530] : memref<5x256xf32, #tpu.memory_space<vmem>>, vector<1x256xf32>
    %get3A_532 = arith.constant 1 : index
    %get3A_533 = arith.constant 0 : index
    %get3A_534 = vector.load %arg2[%get3A_532, %get3A_533] : memref<6x256xf32, #tpu.memory_space<vmem>>, vector<1x256xf32>
    %add3A_535 = arith.addf %get3A_531, %get3A_534 : vector<1x256xf32>
    %get3A_536 = arith.constant 0 : index
    %get3A_537 = arith.constant 0 : index
    %get3A_538 = vector.load %arg3[%get3A_536, %get3A_537] : memref<2x256xf32, #tpu.memory_space<vmem>>, vector<1x256xf32>
    %add3A_539 = arith.addf %add3A_535, %get3A_538 : vector<1x256xf32>
    %swap3A_540 = arith.constant 38 : index
    %swap3A_541 = arith.constant 0 : index
    %swap3A_542 = vector.load %arg4[%swap3A_540, %swap3A_541] : memref<64x256xf32, #tpu.memory_space<vmem>>, vector<1x256xf32>
    tpu.vector_store %arg4[%swap3A_540, %swap3A_541], %add3A_539 {strides = array<i32>} : memref<64x256xf32, #tpu.memory_space<vmem>>, vector<1x256xf32>,
    %get3A_543 = arith.constant 3 : index
    %get3A_544 = arith.constant 0 : index
    %get3A_545 = vector.load %arg1[%get3A_543, %get3A_544] : memref<5x256xf32, #tpu.memory_space<vmem>>, vector<1x256xf32>
    %get3A_546 = arith.constant 1 : index
    %get3A_547 = arith.constant 0 : index
    %get3A_548 = vector.load %arg2[%get3A_546, %get3A_547] : memref<6x256xf32, #tpu.memory_space<vmem>>, vector<1x256xf32>
    %add3A_549 = arith.addf %get3A_545, %get3A_548 : vector<1x256xf32>
    %get3A_550 = arith.constant 1 : index
    %get3A_551 = arith.constant 0 : index
    %get3A_552 = vector.load %arg3[%get3A_550, %get3A_551] : memref<2x256xf32, #tpu.memory_space<vmem>>, vector<1x256xf32>
    %add3A_553 = arith.addf %add3A_549, %get3A_552 : vector<1x256xf32>
    %swap3A_554 = arith.constant 39 : index
    %swap3A_555 = arith.constant 0 : index
    %swap3A_556 = vector.load %arg4[%swap3A_554, %swap3A_555] : memref<64x256xf32, #tpu.memory_space<vmem>>, vector<1x256xf32>
    tpu.vector_store %arg4[%swap3A_554, %swap3A_555], %add3A_553 {strides = array<i32>} : memref<64x256xf32, #tpu.memory_space<vmem>>, vector<1x256xf32>,
    %get3A_557 = arith.constant 3 : index
    %get3A_558 = arith.constant 0 : index
    %get3A_559 = vector.load %arg1[%get3A_557, %get3A_558] : memref<5x256xf32, #tpu.memory_space<vmem>>, vector<1x256xf32>
    %get3A_560 = arith.constant 2 : index
    %get3A_561 = arith.constant 0 : index
    %get3A_562 = vector.load %arg2[%get3A_560, %get3A_561] : memref<6x256xf32, #tpu.memory_space<vmem>>, vector<1x256xf32>
    %add3A_563 = arith.addf %get3A_559, %get3A_562 : vector<1x256xf32>
    %get3A_564 = arith.constant 0 : index
    %get3A_565 = arith.constant 0 : index
    %get3A_566 = vector.load %arg3[%get3A_564, %get3A_565] : memref<2x256xf32, #tpu.memory_space<vmem>>, vector<1x256xf32>
    %add3A_567 = arith.addf %add3A_563, %get3A_566 : vector<1x256xf32>
    %swap3A_568 = arith.constant 40 : index
    %swap3A_569 = arith.constant 0 : index
    %swap3A_570 = vector.load %arg4[%swap3A_568, %swap3A_569] : memref<64x256xf32, #tpu.memory_space<vmem>>, vector<1x256xf32>
    tpu.vector_store %arg4[%swap3A_568, %swap3A_569], %add3A_567 {strides = array<i32>} : memref<64x256xf32, #tpu.memory_space<vmem>>, vector<1x256xf32>,
    %get3A_571 = arith.constant 3 : index
    %get3A_572 = arith.constant 0 : index
    %get3A_573 = vector.load %arg1[%get3A_571, %get3A_572] : memref<5x256xf32, #tpu.memory_space<vmem>>, vector<1x256xf32>
    %get3A_574 = arith.constant 2 : index
    %get3A_575 = arith.constant 0 : index
    %get3A_576 = vector.load %arg2[%get3A_574, %get3A_575] : memref<6x256xf32, #tpu.memory_space<vmem>>, vector<1x256xf32>
    %add3A_577 = arith.addf %get3A_573, %get3A_576 : vector<1x256xf32>
    %get3A_578 = arith.constant 1 : index
    %get3A_579 = arith.constant 0 : index
    %get3A_580 = vector.load %arg3[%get3A_578, %get3A_579] : memref<2x256xf32, #tpu.memory_space<vmem>>, vector<1x256xf32>
    %add3A_581 = arith.addf %add3A_577, %get3A_580 : vector<1x256xf32>
    %swap3A_582 = arith.constant 41 : index
    %swap3A_583 = arith.constant 0 : index
    %swap3A_584 = vector.load %arg4[%swap3A_582, %swap3A_583] : memref<64x256xf32, #tpu.memory_space<vmem>>, vector<1x256xf32>
    tpu.vector_store %arg4[%swap3A_582, %swap3A_583], %add3A_581 {strides = array<i32>} : memref<64x256xf32, #tpu.memory_space<vmem>>, vector<1x256xf32>,
    %get3A_585 = arith.constant 3 : index
    %get3A_586 = arith.constant 0 : index
    %get3A_587 = vector.load %arg1[%get3A_585, %get3A_586] : memref<5x256xf32, #tpu.memory_space<vmem>>, vector<1x256xf32>
    %get3A_588 = arith.constant 3 : index
    %get3A_589 = arith.constant 0 : index
    %get3A_590 = vector.load %arg2[%get3A_588, %get3A_589] : memref<6x256xf32, #tpu.memory_space<vmem>>, vector<1x256xf32>
    %add3A_591 = arith.addf %get3A_587, %get3A_590 : vector<1x256xf32>
    %get3A_592 = arith.constant 0 : index
    %get3A_593 = arith.constant 0 : index
    %get3A_594 = vector.load %arg3[%get3A_592, %get3A_593] : memref<2x256xf32, #tpu.memory_space<vmem>>, vector<1x256xf32>
    %add3A_595 = arith.addf %add3A_591, %get3A_594 : vector<1x256xf32>
    %swap3A_596 = arith.constant 42 : index
    %swap3A_597 = arith.constant 0 : index
    %swap3A_598 = vector.load %arg4[%swap3A_596, %swap3A_597] : memref<64x256xf32, #tpu.memory_space<vmem>>, vector<1x256xf32>
    tpu.vector_store %arg4[%swap3A_596, %swap3A_597], %add3A_595 {strides = array<i32>} : memref<64x256xf32, #tpu.memory_space<vmem>>, vector<1x256xf32>,
    %get3A_599 = arith.constant 3 : index
    %get3A_600 = arith.constant 0 : index
    %get3A_601 = vector.load %arg1[%get3A_599, %get3A_600] : memref<5x256xf32, #tpu.memory_space<vmem>>, vector<1x256xf32>
    %get3A_602 = arith.constant 3 : index
    %get3A_603 = arith.constant 0 : index
    %get3A_604 = vector.load %arg2[%get3A_602, %get3A_603] : memref<6x256xf32, #tpu.memory_space<vmem>>, vector<1x256xf32>
    %add3A_605 = arith.addf %get3A_601, %get3A_604 : vector<1x256xf32>
    %get3A_606 = arith.constant 1 : index
    %get3A_607 = arith.constant 0 : index
    %get3A_608 = vector.load %arg3[%get3A_606, %get3A_607] : memref<2x256xf32, #tpu.memory_space<vmem>>, vector<1x256xf32>
    %add3A_609 = arith.addf %add3A_605, %get3A_608 : vector<1x256xf32>
    %swap3A_610 = arith.constant 43 : index
    %swap3A_611 = arith.constant 0 : index
    %swap3A_612 = vector.load %arg4[%swap3A_610, %swap3A_611] : memref<64x256xf32, #tpu.memory_space<vmem>>, vector<1x256xf32>
    tpu.vector_store %arg4[%swap3A_610, %swap3A_611], %add3A_609 {strides = array<i32>} : memref<64x256xf32, #tpu.memory_space<vmem>>, vector<1x256xf32>,
    %get3A_613 = arith.constant 3 : index
    %get3A_614 = arith.constant 0 : index
    %get3A_615 = vector.load %arg1[%get3A_613, %get3A_614] : memref<5x256xf32, #tpu.memory_space<vmem>>, vector<1x256xf32>
    %get3A_616 = arith.constant 4 : index
    %get3A_617 = arith.constant 0 : index
    %get3A_618 = vector.load %arg2[%get3A_616, %get3A_617] : memref<6x256xf32, #tpu.memory_space<vmem>>, vector<1x256xf32>
    %add3A_619 = arith.addf %get3A_615, %get3A_618 : vector<1x256xf32>
    %get3A_620 = arith.constant 0 : index
    %get3A_621 = arith.constant 0 : index
    %get3A_622 = vector.load %arg3[%get3A_620, %get3A_621] : memref<2x256xf32, #tpu.memory_space<vmem>>, vector<1x256xf32>
    %add3A_623 = arith.addf %add3A_619, %get3A_622 : vector<1x256xf32>
    %swap3A_624 = arith.constant 44 : index
    %swap3A_625 = arith.constant 0 : index
    %swap3A_626 = vector.load %arg4[%swap3A_624, %swap3A_625] : memref<64x256xf32, #tpu.memory_space<vmem>>, vector<1x256xf32>
    tpu.vector_store %arg4[%swap3A_624, %swap3A_625], %add3A_623 {strides = array<i32>} : memref<64x256xf32, #tpu.memory_space<vmem>>, vector<1x256xf32>,
    %get3A_627 = arith.constant 3 : index
    %get3A_628 = arith.constant 0 : index
    %get3A_629 = vector.load %arg1[%get3A_627, %get3A_628] : memref<5x256xf32, #tpu.memory_space<vmem>>, vector<1x256xf32>
    %get3A_630 = arith.constant 4 : index
    %get3A_631 = arith.constant 0 : index
    %get3A_632 = vector.load %arg2[%get3A_630, %get3A_631] : memref<6x256xf32, #tpu.memory_space<vmem>>, vector<1x256xf32>
    %add3A_633 = arith.addf %get3A_629, %get3A_632 : vector<1x256xf32>
    %get3A_634 = arith.constant 1 : index
    %get3A_635 = arith.constant 0 : index
    %get3A_636 = vector.load %arg3[%get3A_634, %get3A_635] : memref<2x256xf32, #tpu.memory_space<vmem>>, vector<1x256xf32>
    %add3A_637 = arith.addf %add3A_633, %get3A_636 : vector<1x256xf32>
    %swap3A_638 = arith.constant 45 : index
    %swap3A_639 = arith.constant 0 : index
    %swap3A_640 = vector.load %arg4[%swap3A_638, %swap3A_639] : memref<64x256xf32, #tpu.memory_space<vmem>>, vector<1x256xf32>
    tpu.vector_store %arg4[%swap3A_638, %swap3A_639], %add3A_637 {strides = array<i32>} : memref<64x256xf32, #tpu.memory_space<vmem>>, vector<1x256xf32>,
    %get3A_641 = arith.constant 3 : index
    %get3A_642 = arith.constant 0 : index
    %get3A_643 = vector.load %arg1[%get3A_641, %get3A_642] : memref<5x256xf32, #tpu.memory_space<vmem>>, vector<1x256xf32>
    %get3A_644 = arith.constant 5 : index
    %get3A_645 = arith.constant 0 : index
    %get3A_646 = vector.load %arg2[%get3A_644, %get3A_645] : memref<6x256xf32, #tpu.memory_space<vmem>>, vector<1x256xf32>
    %add3A_647 = arith.addf %get3A_643, %get3A_646 : vector<1x256xf32>
    %get3A_648 = arith.constant 0 : index
    %get3A_649 = arith.constant 0 : index
    %get3A_650 = vector.load %arg3[%get3A_648, %get3A_649] : memref<2x256xf32, #tpu.memory_space<vmem>>, vector<1x256xf32>
    %add3A_651 = arith.addf %add3A_647, %get3A_650 : vector<1x256xf32>
    %swap3A_652 = arith.constant 46 : index
    %swap3A_653 = arith.constant 0 : index
    %swap3A_654 = vector.load %arg4[%swap3A_652, %swap3A_653] : memref<64x256xf32, #tpu.memory_space<vmem>>, vector<1x256xf32>
    tpu.vector_store %arg4[%swap3A_652, %swap3A_653], %add3A_651 {strides = array<i32>} : memref<64x256xf32, #tpu.memory_space<vmem>>, vector<1x256xf32>,
    %get3A_655 = arith.constant 3 : index
    %get3A_656 = arith.constant 0 : index
    %get3A_657 = vector.load %arg1[%get3A_655, %get3A_656] : memref<5x256xf32, #tpu.memory_space<vmem>>, vector<1x256xf32>
    %get3A_658 = arith.constant 5 : index
    %get3A_659 = arith.constant 0 : index
    %get3A_660 = vector.load %arg2[%get3A_658, %get3A_659] : memref<6x256xf32, #tpu.memory_space<vmem>>, vector<1x256xf32>
    %add3A_661 = arith.addf %get3A_657, %get3A_660 : vector<1x256xf32>
    %get3A_662 = arith.constant 1 : index
    %get3A_663 = arith.constant 0 : index
    %get3A_664 = vector.load %arg3[%get3A_662, %get3A_663] : memref<2x256xf32, #tpu.memory_space<vmem>>, vector<1x256xf32>
    %add3A_665 = arith.addf %add3A_661, %get3A_664 : vector<1x256xf32>
    %swap3A_666 = arith.constant 47 : index
    %swap3A_667 = arith.constant 0 : index
    %swap3A_668 = vector.load %arg4[%swap3A_666, %swap3A_667] : memref<64x256xf32, #tpu.memory_space<vmem>>, vector<1x256xf32>
    tpu.vector_store %arg4[%swap3A_666, %swap3A_667], %add3A_665 {strides = array<i32>} : memref<64x256xf32, #tpu.memory_space<vmem>>, vector<1x256xf32>,
    %get3A_669 = arith.constant 4 : index
    %get3A_670 = arith.constant 0 : index
    %get3A_671 = vector.load %arg1[%get3A_669, %get3A_670] : memref<5x256xf32, #tpu.memory_space<vmem>>, vector<1x256xf32>
    %get3A_672 = arith.constant 0 : index
    %get3A_673 = arith.constant 0 : index
    %get3A_674 = vector.load %arg2[%get3A_672, %get3A_673] : memref<6x256xf32, #tpu.memory_space<vmem>>, vector<1x256xf32>
    %add3A_675 = arith.addf %get3A_671, %get3A_674 : vector<1x256xf32>
    %get3A_676 = arith.constant 0 : index
    %get3A_677 = arith.constant 0 : index
    %get3A_678 = vector.load %arg3[%get3A_676, %get3A_677] : memref<2x256xf32, #tpu.memory_space<vmem>>, vector<1x256xf32>
    %add3A_679 = arith.addf %add3A_675, %get3A_678 : vector<1x256xf32>
    %swap3A_680 = arith.constant 48 : index
    %swap3A_681 = arith.constant 0 : index
    %swap3A_682 = vector.load %arg4[%swap3A_680, %swap3A_681] : memref<64x256xf32, #tpu.memory_space<vmem>>, vector<1x256xf32>
    tpu.vector_store %arg4[%swap3A_680, %swap3A_681], %add3A_679 {strides = array<i32>} : memref<64x256xf32, #tpu.memory_space<vmem>>, vector<1x256xf32>,
    %get3A_683 = arith.constant 4 : index
    %get3A_684 = arith.constant 0 : index
    %get3A_685 = vector.load %arg1[%get3A_683, %get3A_684] : memref<5x256xf32, #tpu.memory_space<vmem>>, vector<1x256xf32>
    %get3A_686 = arith.constant 0 : index
    %get3A_687 = arith.constant 0 : index
    %get3A_688 = vector.load %arg2[%get3A_686, %get3A_687] : memref<6x256xf32, #tpu.memory_space<vmem>>, vector<1x256xf32>
    %add3A_689 = arith.addf %get3A_685, %get3A_688 : vector<1x256xf32>
    %get3A_690 = arith.constant 1 : index
    %get3A_691 = arith.constant 0 : index
    %get3A_692 = vector.load %arg3[%get3A_690, %get3A_691] : memref<2x256xf32, #tpu.memory_space<vmem>>, vector<1x256xf32>
    %add3A_693 = arith.addf %add3A_689, %get3A_692 : vector<1x256xf32>
    %swap3A_694 = arith.constant 49 : index
    %swap3A_695 = arith.constant 0 : index
    %swap3A_696 = vector.load %arg4[%swap3A_694, %swap3A_695] : memref<64x256xf32, #tpu.memory_space<vmem>>, vector<1x256xf32>
    tpu.vector_store %arg4[%swap3A_694, %swap3A_695], %add3A_693 {strides = array<i32>} : memref<64x256xf32, #tpu.memory_space<vmem>>, vector<1x256xf32>,
    %get3A_697 = arith.constant 4 : index
    %get3A_698 = arith.constant 0 : index
    %get3A_699 = vector.load %arg1[%get3A_697, %get3A_698] : memref<5x256xf32, #tpu.memory_space<vmem>>, vector<1x256xf32>
    %get3A_700 = arith.constant 1 : index
    %get3A_701 = arith.constant 0 : index
    %get3A_702 = vector.load %arg2[%get3A_700, %get3A_701] : memref<6x256xf32, #tpu.memory_space<vmem>>, vector<1x256xf32>
    %add3A_703 = arith.addf %get3A_699, %get3A_702 : vector<1x256xf32>
    %get3A_704 = arith.constant 0 : index
    %get3A_705 = arith.constant 0 : index
    %get3A_706 = vector.load %arg3[%get3A_704, %get3A_705] : memref<2x256xf32, #tpu.memory_space<vmem>>, vector<1x256xf32>
    %add3A_707 = arith.addf %add3A_703, %get3A_706 : vector<1x256xf32>
    %swap3A_708 = arith.constant 50 : index
    %swap3A_709 = arith.constant 0 : index
    %swap3A_710 = vector.load %arg4[%swap3A_708, %swap3A_709] : memref<64x256xf32, #tpu.memory_space<vmem>>, vector<1x256xf32>
    tpu.vector_store %arg4[%swap3A_708, %swap3A_709], %add3A_707 {strides = array<i32>} : memref<64x256xf32, #tpu.memory_space<vmem>>, vector<1x256xf32>,
    %get3A_711 = arith.constant 4 : index
    %get3A_712 = arith.constant 0 : index
    %get3A_713 = vector.load %arg1[%get3A_711, %get3A_712] : memref<5x256xf32, #tpu.memory_space<vmem>>, vector<1x256xf32>
    %get3A_714 = arith.constant 1 : index
    %get3A_715 = arith.constant 0 : index
    %get3A_716 = vector.load %arg2[%get3A_714, %get3A_715] : memref<6x256xf32, #tpu.memory_space<vmem>>, vector<1x256xf32>
    %add3A_717 = arith.addf %get3A_713, %get3A_716 : vector<1x256xf32>
    %get3A_718 = arith.constant 1 : index
    %get3A_719 = arith.constant 0 : index
    %get3A_720 = vector.load %arg3[%get3A_718, %get3A_719] : memref<2x256xf32, #tpu.memory_space<vmem>>, vector<1x256xf32>
    %add3A_721 = arith.addf %add3A_717, %get3A_720 : vector<1x256xf32>
    %swap3A_722 = arith.constant 51 : index
    %swap3A_723 = arith.constant 0 : index
    %swap3A_724 = vector.load %arg4[%swap3A_722, %swap3A_723] : memref<64x256xf32, #tpu.memory_space<vmem>>, vector<1x256xf32>
    tpu.vector_store %arg4[%swap3A_722, %swap3A_723], %add3A_721 {strides = array<i32>} : memref<64x256xf32, #tpu.memory_space<vmem>>, vector<1x256xf32>,
    %get3A_725 = arith.constant 4 : index
    %get3A_726 = arith.constant 0 : index
    %get3A_727 = vector.load %arg1[%get3A_725, %get3A_726] : memref<5x256xf32, #tpu.memory_space<vmem>>, vector<1x256xf32>
    %get3A_728 = arith.constant 2 : index
    %get3A_729 = arith.constant 0 : index
    %get3A_730 = vector.load %arg2[%get3A_728, %get3A_729] : memref<6x256xf32, #tpu.memory_space<vmem>>, vector<1x256xf32>
    %add3A_731 = arith.addf %get3A_727, %get3A_730 : vector<1x256xf32>
    %get3A_732 = arith.constant 0 : index
    %get3A_733 = arith.constant 0 : index
    %get3A_734 = vector.load %arg3[%get3A_732, %get3A_733] : memref<2x256xf32, #tpu.memory_space<vmem>>, vector<1x256xf32>
    %add3A_735 = arith.addf %add3A_731, %get3A_734 : vector<1x256xf32>
    %swap3A_736 = arith.constant 52 : index
    %swap3A_737 = arith.constant 0 : index
    %swap3A_738 = vector.load %arg4[%swap3A_736, %swap3A_737] : memref<64x256xf32, #tpu.memory_space<vmem>>, vector<1x256xf32>
    tpu.vector_store %arg4[%swap3A_736, %swap3A_737], %add3A_735 {strides = array<i32>} : memref<64x256xf32, #tpu.memory_space<vmem>>, vector<1x256xf32>,
    %get3A_739 = arith.constant 4 : index
    %get3A_740 = arith.constant 0 : index
    %get3A_741 = vector.load %arg1[%get3A_739, %get3A_740] : memref<5x256xf32, #tpu.memory_space<vmem>>, vector<1x256xf32>
    %get3A_742 = arith.constant 2 : index
    %get3A_743 = arith.constant 0 : index
    %get3A_744 = vector.load %arg2[%get3A_742, %get3A_743] : memref<6x256xf32, #tpu.memory_space<vmem>>, vector<1x256xf32>
    %add3A_745 = arith.addf %get3A_741, %get3A_744 : vector<1x256xf32>
    %get3A_746 = arith.constant 1 : index
    %get3A_747 = arith.constant 0 : index
    %get3A_748 = vector.load %arg3[%get3A_746, %get3A_747] : memref<2x256xf32, #tpu.memory_space<vmem>>, vector<1x256xf32>
    %add3A_749 = arith.addf %add3A_745, %get3A_748 : vector<1x256xf32>
    %swap3A_750 = arith.constant 53 : index
    %swap3A_751 = arith.constant 0 : index
    %swap3A_752 = vector.load %arg4[%swap3A_750, %swap3A_751] : memref<64x256xf32, #tpu.memory_space<vmem>>, vector<1x256xf32>
    tpu.vector_store %arg4[%swap3A_750, %swap3A_751], %add3A_749 {strides = array<i32>} : memref<64x256xf32, #tpu.memory_space<vmem>>, vector<1x256xf32>,
    %get3A_753 = arith.constant 4 : index
    %get3A_754 = arith.constant 0 : index
    %get3A_755 = vector.load %arg1[%get3A_753, %get3A_754] : memref<5x256xf32, #tpu.memory_space<vmem>>, vector<1x256xf32>
    %get3A_756 = arith.constant 3 : index
    %get3A_757 = arith.constant 0 : index
    %get3A_758 = vector.load %arg2[%get3A_756, %get3A_757] : memref<6x256xf32, #tpu.memory_space<vmem>>, vector<1x256xf32>
    %add3A_759 = arith.addf %get3A_755, %get3A_758 : vector<1x256xf32>
    %get3A_760 = arith.constant 0 : index
    %get3A_761 = arith.constant 0 : index
    %get3A_762 = vector.load %arg3[%get3A_760, %get3A_761] : memref<2x256xf32, #tpu.memory_space<vmem>>, vector<1x256xf32>
    %add3A_763 = arith.addf %add3A_759, %get3A_762 : vector<1x256xf32>
    %swap3A_764 = arith.constant 54 : index
    %swap3A_765 = arith.constant 0 : index
    %swap3A_766 = vector.load %arg4[%swap3A_764, %swap3A_765] : memref<64x256xf32, #tpu.memory_space<vmem>>, vector<1x256xf32>
    tpu.vector_store %arg4[%swap3A_764, %swap3A_765], %add3A_763 {strides = array<i32>} : memref<64x256xf32, #tpu.memory_space<vmem>>, vector<1x256xf32>,
    %get3A_767 = arith.constant 4 : index
    %get3A_768 = arith.constant 0 : index
    %get3A_769 = vector.load %arg1[%get3A_767, %get3A_768] : memref<5x256xf32, #tpu.memory_space<vmem>>, vector<1x256xf32>
    %get3A_770 = arith.constant 3 : index
    %get3A_771 = arith.constant 0 : index
    %get3A_772 = vector.load %arg2[%get3A_770, %get3A_771] : memref<6x256xf32, #tpu.memory_space<vmem>>, vector<1x256xf32>
    %add3A_773 = arith.addf %get3A_769, %get3A_772 : vector<1x256xf32>
    %get3A_774 = arith.constant 1 : index
    %get3A_775 = arith.constant 0 : index
    %get3A_776 = vector.load %arg3[%get3A_774, %get3A_775] : memref<2x256xf32, #tpu.memory_space<vmem>>, vector<1x256xf32>
    %add3A_777 = arith.addf %add3A_773, %get3A_776 : vector<1x256xf32>
    %swap3A_778 = arith.constant 55 : index
    %swap3A_779 = arith.constant 0 : index
    %swap3A_780 = vector.load %arg4[%swap3A_778, %swap3A_779] : memref<64x256xf32, #tpu.memory_space<vmem>>, vector<1x256xf32>
    tpu.vector_store %arg4[%swap3A_778, %swap3A_779], %add3A_777 {strides = array<i32>} : memref<64x256xf32, #tpu.memory_space<vmem>>, vector<1x256xf32>,
    %get3A_781 = arith.constant 4 : index
    %get3A_782 = arith.constant 0 : index
    %get3A_783 = vector.load %arg1[%get3A_781, %get3A_782] : memref<5x256xf32, #tpu.memory_space<vmem>>, vector<1x256xf32>
    %get3A_784 = arith.constant 4 : index
    %get3A_785 = arith.constant 0 : index
    %get3A_786 = vector.load %arg2[%get3A_784, %get3A_785] : memref<6x256xf32, #tpu.memory_space<vmem>>, vector<1x256xf32>
    %add3A_787 = arith.addf %get3A_783, %get3A_786 : vector<1x256xf32>
    %get3A_788 = arith.constant 0 : index
    %get3A_789 = arith.constant 0 : index
    %get3A_790 = vector.load %arg3[%get3A_788, %get3A_789] : memref<2x256xf32, #tpu.memory_space<vmem>>, vector<1x256xf32>
    %add3A_791 = arith.addf %add3A_787, %get3A_790 : vector<1x256xf32>
    %swap3A_792 = arith.constant 56 : index
    %swap3A_793 = arith.constant 0 : index
    %swap3A_794 = vector.load %arg4[%swap3A_792, %swap3A_793] : memref<64x256xf32, #tpu.memory_space<vmem>>, vector<1x256xf32>
    tpu.vector_store %arg4[%swap3A_792, %swap3A_793], %add3A_791 {strides = array<i32>} : memref<64x256xf32, #tpu.memory_space<vmem>>, vector<1x256xf32>,
    %get3A_795 = arith.constant 4 : index
    %get3A_796 = arith.constant 0 : index
    %get3A_797 = vector.load %arg1[%get3A_795, %get3A_796] : memref<5x256xf32, #tpu.memory_space<vmem>>, vector<1x256xf32>
    %get3A_798 = arith.constant 4 : index
    %get3A_799 = arith.constant 0 : index
    %get3A_800 = vector.load %arg2[%get3A_798, %get3A_799] : memref<6x256xf32, #tpu.memory_space<vmem>>, vector<1x256xf32>
    %add3A_801 = arith.addf %get3A_797, %get3A_800 : vector<1x256xf32>
    %get3A_802 = arith.constant 1 : index
    %get3A_803 = arith.constant 0 : index
    %get3A_804 = vector.load %arg3[%get3A_802, %get3A_803] : memref<2x256xf32, #tpu.memory_space<vmem>>, vector<1x256xf32>
    %add3A_805 = arith.addf %add3A_801, %get3A_804 : vector<1x256xf32>
    %swap3A_806 = arith.constant 57 : index
    %swap3A_807 = arith.constant 0 : index
    %swap3A_808 = vector.load %arg4[%swap3A_806, %swap3A_807] : memref<64x256xf32, #tpu.memory_space<vmem>>, vector<1x256xf32>
    tpu.vector_store %arg4[%swap3A_806, %swap3A_807], %add3A_805 {strides = array<i32>} : memref<64x256xf32, #tpu.memory_space<vmem>>, vector<1x256xf32>,
    %get3A_809 = arith.constant 4 : index
    %get3A_810 = arith.constant 0 : index
    %get3A_811 = vector.load %arg1[%get3A_809, %get3A_810] : memref<5x256xf32, #tpu.memory_space<vmem>>, vector<1x256xf32>
    %get3A_812 = arith.constant 5 : index
    %get3A_813 = arith.constant 0 : index
    %get3A_814 = vector.load %arg2[%get3A_812, %get3A_813] : memref<6x256xf32, #tpu.memory_space<vmem>>, vector<1x256xf32>
    %add3A_815 = arith.addf %get3A_811, %get3A_814 : vector<1x256xf32>
    %get3A_816 = arith.constant 0 : index
    %get3A_817 = arith.constant 0 : index
    %get3A_818 = vector.load %arg3[%get3A_816, %get3A_817] : memref<2x256xf32, #tpu.memory_space<vmem>>, vector<1x256xf32>
    %add3A_819 = arith.addf %add3A_815, %get3A_818 : vector<1x256xf32>
    %swap3A_820 = arith.constant 58 : index
    %swap3A_821 = arith.constant 0 : index
    %swap3A_822 = vector.load %arg4[%swap3A_820, %swap3A_821] : memref<64x256xf32, #tpu.memory_space<vmem>>, vector<1x256xf32>
    tpu.vector_store %arg4[%swap3A_820, %swap3A_821], %add3A_819 {strides = array<i32>} : memref<64x256xf32, #tpu.memory_space<vmem>>, vector<1x256xf32>,
    %get3A_823 = arith.constant 4 : index
    %get3A_824 = arith.constant 0 : index
    %get3A_825 = vector.load %arg1[%get3A_823, %get3A_824] : memref<5x256xf32, #tpu.memory_space<vmem>>, vector<1x256xf32>
    %get3A_826 = arith.constant 5 : index
    %get3A_827 = arith.constant 0 : index
    %get3A_828 = vector.load %arg2[%get3A_826, %get3A_827] : memref<6x256xf32, #tpu.memory_space<vmem>>, vector<1x256xf32>
    %add3A_829 = arith.addf %get3A_825, %get3A_828 : vector<1x256xf32>
    %get3A_830 = arith.constant 1 : index
    %get3A_831 = arith.constant 0 : index
    %get3A_832 = vector.load %arg3[%get3A_830, %get3A_831] : memref<2x256xf32, #tpu.memory_space<vmem>>, vector<1x256xf32>
    %add3A_833 = arith.addf %add3A_829, %get3A_832 : vector<1x256xf32>
    %swap3A_834 = arith.constant 59 : index
    %swap3A_835 = arith.constant 0 : index
    %swap3A_836 = vector.load %arg4[%swap3A_834, %swap3A_835] : memref<64x256xf32, #tpu.memory_space<vmem>>, vector<1x256xf32>
    tpu.vector_store %arg4[%swap3A_834, %swap3A_835], %add3A_833 {strides = array<i32>} : memref<64x256xf32, #tpu.memory_space<vmem>>, vector<1x256xf32>,
    %broadcast_in_dim3A = arith.constant 0.000000e+00 : f32
    %broadcast_in_dim3A_837 = vector.broadcast %broadcast_in_dim3A : f32 to vector<1x256xf32>
    %swap3A_838 = arith.constant 60 : index
    %swap3A_839 = arith.constant 0 : index
    %swap3A_840 = vector.load %arg4[%swap3A_838, %swap3A_839] : memref<64x256xf32, #tpu.memory_space<vmem>>, vector<1x256xf32>
    tpu.vector_store %arg4[%swap3A_838, %swap3A_839], %broadcast_in_dim3A_837 {strides = array<i32>} : memref<64x256xf32, #tpu.memory_space<vmem>>, vector<1x256xf32>,
    %broadcast_in_dim3A_841 = arith.constant 0.000000e+00 : f32
    %broadcast_in_dim3A_842 = vector.broadcast %broadcast_in_dim3A_841 : f32 to vector<1x256xf32>
    %swap3A_843 = arith.constant 61 : index
    %swap3A_844 = arith.constant 0 : index
    %swap3A_845 = vector.load %arg4[%swap3A_843, %swap3A_844] : memref<64x256xf32, #tpu.memory_space<vmem>>, vector<1x256xf32>
    tpu.vector_store %arg4[%swap3A_843, %swap3A_844], %broadcast_in_dim3A_842 {strides = array<i32>} : memref<64x256xf32, #tpu.memory_space<vmem>>, vector<1x256xf32>,
    %broadcast_in_dim3A_846 = arith.constant 0.000000e+00 : f32
    %broadcast_in_dim3A_847 = vector.broadcast %broadcast_in_dim3A_846 : f32 to vector<1x256xf32>
    %swap3A_848 = arith.constant 62 : index
    %swap3A_849 = arith.constant 0 : index
    %swap3A_850 = vector.load %arg4[%swap3A_848, %swap3A_849] : memref<64x256xf32, #tpu.memory_space<vmem>>, vector<1x256xf32>
    tpu.vector_store %arg4[%swap3A_848, %swap3A_849], %broadcast_in_dim3A_847 {strides = array<i32>} : memref<64x256xf32, #tpu.memory_space<vmem>>, vector<1x256xf32>,
    %broadcast_in_dim3A_851 = arith.constant 0.000000e+00 : f32
    %broadcast_in_dim3A_852 = vector.broadcast %broadcast_in_dim3A_851 : f32 to vector<1x256xf32>
    %swap3A_853 = arith.constant 63 : index
    %swap3A_854 = arith.constant 0 : index
    %swap3A_855 = vector.load %arg4[%swap3A_853, %swap3A_854] : memref<64x256xf32, #tpu.memory_space<vmem>>, vector<1x256xf32>
    tpu.vector_store %arg4[%swap3A_853, %swap3A_854], %broadcast_in_dim3A_852 {strides = array<i32>} : memref<64x256xf32, #tpu.memory_space<vmem>>, vector<1x256xf32>,
    return
  }
  func.func @transform_0(%arg0: i32) -> (i32, i32) {
    %c0_i32 = arith.constant 0 : i32
    %c0_i32_0 = arith.constant 0 : i32
    %c0_i32_1 = arith.constant 0 : i32
    return %c0_i32, %c0_i32_0 : i32, i32
  }
  func.func @transform_1(%arg0: i32) -> (i32, i32) {
    %c0_i32 = arith.constant 0 : i32
    %c0_i32_0 = arith.constant 0 : i32
    %c0_i32_1 = arith.constant 0 : i32
    return %c0_i32, %c0_i32_0 : i32, i32
  }
  func.func @transform_2(%arg0: i32) -> (i32, i32) {
    %c0_i32 = arith.constant 0 : i32
    %c0_i32_0 = arith.constant 0 : i32
    %c0_i32_1 = arith.constant 0 : i32
    return %c0_i32, %c0_i32_0 : i32, i32
  }
  func.func @transform_3(%arg0: i32) -> (i32, i32) {
    %c0_i32 = arith.constant 0 : i32
    %c0_i32_0 = arith.constant 0 : i32
    return %arg0, %c0_i32 : i32, i32
  }
}

</mosaic_0001>

<sc_bundles>
// kernel: kernel.4.cloned.1.call-start
scs
__scs_entry_jumppad:
0x0: {  	(pc) =	sbr.rel $0x88, $3  }
0x1: {  	(tag) =	ssettag $0x0;
	lr =	simm.s32 $0x1  }
0x2: {  	[smem:$0x3F9D] =	sst lr;
	_ =	strace $0xD0000000  }
0x3: {  	_ = 	snop  }
0x4: {  	_ = 	snop  }
0x5: {  	_ = 	snop  }
0x6: {  	_ = 	snop  }
0x7: {  	_ = 	snop  }
__scs_overlays_trampoline_lowered:
0x8: {  	[smem:$0x3FAC] =	sst s0  }
0x9: {  	[smem:$0x3FAD] =	sst s1  }
0xa: {  	[smem:$0x3FAE] =	sst s2  }
0xb: {  	[smem:$0x3FAF] =	sst s3  }
0xc: {  	[smem:$0x3FB0] =	sst s4  }
0xd: {  	[smem:$0x3FB1] =	sst s5  }
0xe: {  	[smem:$0x3FB2] =	sst s6  }
0xf: {  	[smem:$0x3FB3] =	sst s7  }
0x10: {  	[smem:$0x3FB4] =	sst s8  }
0x11: {  	[smem:$0x3FB5] =	sst s9;
	s0 =	simm.s32 @!p0 $0x0  }
0x12: {  	s1 =	sld [smem:$0x3F9B];
	s0 =	simm.s32 @p0 $0x1  }
0x13: {  	[smem:$0x3FB6] =	sst s0;
	s0 =	simm.s32 @!p1 $0x0  }
0x14: {  	s2 =	sld [smem:$0x3F9A];
	s0 =	simm.s32 @p1 $0x1  }
0x15: {  	[smem:$0x3FB7] =	sst s0;
	s0 =	simm.s32 @!p2 $0x0  }
0x16: {  	s3 =	sld [smem:$0x3FDB];
	s0 =	simm.s32 @p2 $0x1  }
0x17: {  	s4 =	simm.s32 $0x1BF5;
	[smem:$0x3FB9] =	sst s0  }
0x18: {  	s0 =	sld [smem:$0x3F9C];
	_ =	swait.ge [sflag:s4], $0x0  }
0x19: {  	s7 =	sld [smem:$0x3F9D]  }
0x1a: {  	s8 =	sadd.s32 $0xFFFFE003, lr  }
0x1b: {  	s9 =	sadd.s32 $0xFFFFFEF7, lr;
	s5 =	simm.s32 $0xFFFFFFFF;
	p2 =	slt.u32 s8, $0xFFFFF086  }
0x1c: {  	p1 =	slt.u32 s9, $0xF7A;
	s5 =	simm.s32 @!p2 $0x0  }
0x1d: {  	s5 =	simm.s32 @p1 $0x1;
	p0 =	seq.s32 s7, s2  }
0x1e: {  	s7 =	smul.u32 @!p0 $0xF7A, s2;
	p2 =	seq.s32 @!p0 s5, $0x0  }
0x1f: {  	s9 =	smul.u32 $0xF7A, s1;
	s8 =	simm.s32 @!p0 $0x1BF5;
	p2 =	por !p2, p0  }
0x20: {  	[sflag:s8] =	ssyncset.s32 @!p0 $0xFFFFF086;
	s6 =	sadd.s32 @!p0 s3, s7;
	s7 =	simm.s32 @!p0 $0x108  }
0x21: {  	s3 =	sadd.s32 s3, s9;
	s6 =	sadd.s32 @!p0 $0x88, s6;
	s7 =	simm.s32 @p2 $0x1082  }
0x22: {  	[simem:s7], [sflag:s8] =	dma.local @!p0 [hbm:s6], $0xF7A  }
0x23: {  	s9 =	sor.u32 $0xD0000000, s2;
	s6 =	simm.s32 $0x108;
	_ =	swait.ge @!p0 [sflag:s8], $0x0  }
0x24: {  	s3 =	sadd.s32 $0x88, s3;
	s6 =	simm.s32 @!p1 $0x1082;
	[sflag:s4] =	ssyncset.s32 $0xFFFFF086  }
0x25: {  	[simem:s6], [sflag:s4] =	dma.local [hbm:s3], $0xF7A  }
0x26: {  	[smem:$0x3F9D] =	sst s1;
	(tag) =	ssettag s2;
	_ =	strace s9  }
0x27: {  	s1 =	sld [smem:$0x3FAD]  }
0x28: {  	s2 =	sld [smem:$0x3FAE]  }
0x29: {  	s4 =	sld [smem:$0x3FB0]  }
0x2a: {  	p0 =	seq.s32 s5, $0x0;
	s5 =	sld [smem:$0x3FB1]  }
0x2b: {  	s6 =	sld [smem:$0x3FB2]  }
0x2c: {  	s7 =	sld [smem:$0x3FB3]  }
0x2d: {  	s3 =	simm.s32 $0x108;
	s8 =	sld [smem:$0x3FB4]  }
0x2e: {  	s3 =	simm.s32 @!p0 $0x1082;
	s9 =	sld [smem:$0x3FB5]  }
0x2f: {  	lr =	sadd.s32 s0, s3;
	s0 =	sld [smem:$0x3FAC]  }
0x30: {  	s3 =	sld [smem:$0x3FAF]  }
0x31: {  	[smem:$0x3FB8] =	sst s10  }
0x32: {  	s10 =	sld [smem:$0x3FB6];
	_ =	sdelay $0x3  }
0x33: {  	p0 =	seq.s32 s10, $0x1;
	s10 =	sld [smem:$0x3FB8];
	_ =	sdelay $0x3  }
0x34: {  	[smem:$0x3FB8] =	sst s10  }
0x35: {  	s10 =	sld [smem:$0x3FB7];
	_ =	sdelay $0x3  }
0x36: {  	p1 =	seq.s32 s10, $0x1;
	s10 =	sld [smem:$0x3FB8];
	_ =	sdelay $0x3  }
0x37: {  	[smem:$0x3FB8] =	sst s10  }
0x38: {  	s10 =	sld [smem:$0x3FB9]  }
0x39: {  	_ = 	snop;
	(pc) =	sbr.ind lr, $3  }
0x3a: {  	_ = 	snop  }
0x3b: {  	_ = 	snop  }
0x3c: {  	p2 =	seq.s32 s10, $0x1;
	s10 =	sld [smem:$0x3FB8]  }
0x3d: {  	_ =	shalt  }
0x3e: {  	_ =	shalt  }
0x3f: {  	_ =	shalt  }
0x40: {  	_ =	shalt  }
0x41: {  	_ =	shalt  }
0x42: {  	_ =	shalt  }
0x43: {  	_ =	shalt  }
0x44: {  	_ =	shalt  }
0x45: {  	_ =	shalt  }
0x46: {  	_ =	shalt  }
0x47: {  	_ =	shalt  }
0x48: {  	_ =	shalt  }
0x49: {  	_ =	shalt  }
0x4a: {  	_ =	shalt  }
0x4b: {  	_ =	shalt  }
0x4c: {  	_ =	shalt  }
0x4d: {  	_ =	shalt  }
0x4e: {  	_ =	shalt  }
0x4f: {  	_ =	shalt  }
0x50: {  	_ =	shalt  }
0x51: {  	_ =	shalt  }
0x52: {  	_ =	shalt  }
0x53: {  	_ =	shalt  }
0x54: {  	_ =	shalt  }
0x55: {  	_ =	shalt  }
0x56: {  	_ =	shalt  }
0x57: {  	_ =	shalt  }
0x58: {  	_ =	shalt  }
0x59: {  	_ =	shalt  }
0x5a: {  	_ =	shalt  }
0x5b: {  	_ =	shalt  }
0x5c: {  	_ =	shalt  }
0x5d: {  	_ =	shalt  }
0x5e: {  	_ =	shalt  }
0x5f: {  	_ =	shalt  }
0x60: {  	_ =	shalt  }
0x61: {  	_ =	shalt  }
0x62: {  	_ =	shalt  }
0x63: {  	_ =	shalt  }
0x64: {  	_ =	shalt  }
0x65: {  	_ =	shalt  }
0x66: {  	_ =	shalt  }
0x67: {  	_ =	shalt  }
0x68: {  	_ =	shalt  }
0x69: {  	_ =	shalt  }
0x6a: {  	_ =	shalt  }
0x6b: {  	_ =	shalt  }
0x6c: {  	_ =	shalt  }
0x6d: {  	_ =	shalt  }
0x6e: {  	_ =	shalt  }
0x6f: {  	_ =	shalt  }
0x70: {  	_ =	shalt  }
0x71: {  	_ =	shalt  }
0x72: {  	_ =	shalt  }
0x73: {  	_ =	shalt  }
0x74: {  	_ =	shalt  }
0x75: {  	_ =	shalt  }
0x76: {  	_ =	shalt  }
0x77: {  	_ =	shalt  }
0x78: {  	_ =	shalt  }
0x79: {  	_ =	shalt  }
0x7a: {  	_ =	shalt  }
0x7b: {  	_ =	shalt  }
0x7c: {  	_ =	shalt  }
0x7d: {  	_ =	shalt  }
0x7e: {  	_ =	shalt  }
0x7f: {  	_ =	shalt  }
0x80: {  	_ =	shalt  }
0x81: {  	_ =	shalt  }
0x82: {  	_ =	shalt  }
0x83: {  	_ =	shalt  }
0x84: {  	_ =	shalt  }
0x85: {  	_ =	shalt  }
0x86: {  	_ =	shalt  }
0x87: {  	_ =	shalt  }
.Lfunc_end0:
.L_simem_size_0:
called_computation_lowered:
.L_overlay_start_0:
0x88: {  	s2 =	sld [smem:$0x3FD9]  }
0x89: {  	s3 =	sld [smem:$0x3FFE];
	_ =	sdelay $0x1  }
0x8a: {  	s1 =	srdreg.scid  }
0x8b: {  	s0 =	sand.u32 $0x1, s1  }
0x8c: {  	s17 =	sshll.u32 s0, $0xA;
	s2 =	sadd.s32 s3, s2  }
0x8d: {  	s2 =	sadd.s32 s2, s17  }
0x8e: {  	[smem:$0x3FC4] =	sst s2  }
0x8f: {  	_ = 	snop  }
0x90: {  	s2 =	sld [smem:$0x3FD0];
	(tm) =	ssettm $0x1  }
0x91: {  	s18 =	sld [smem:$0x3FFB];
	_ =	sdelay $0x3  }
0x92: {  	_ =	strace s18  }
0x93: {  	s3 =	sld [smem:$0x3FFC];
	_ =	sdelay $0x3  }
0x94: {  	_ =	strace s3  }
0x95: {  	s3 =	sld [smem:$0x3FFD];
	_ =	sdelay $0x3  }
0x96: {  	_ =	strace s3  }
0x97: {  	_ =	strace $0x8FFFFFFF  }
0x98: {  	s19 =	sld [smem:$0x3FDB];
	_ =	sdelay $0x1  }
0x99: {  	s4 =	simm.s32 $_scs_section_size  }
0x9a: {  	s5 =	simm.s32 $_size__tile_overlayer_lowered;
	s6 =	simm.s32 $_tile_overlayer_lowered  }
0x9b: {  	s22 =	simm.s32 $0x1BFF;
	s21 =	sshll.u32 s6, $0x1;
	s3 =	sadd.s32 s4, s19  }
0x9c: {  	s7 =	simm.s32 $0x0;
	s20 =	sshll.u32 s5, $0x1;
	s5 =	sadd.s32 s21, s3  }
0x9d: {  	[timem:s7], [sflag:s22] =	dma.local [hbm:s5], s20  }
0x9e: {  	_ =	swait.ge [sflag:s22], s20  }
0x9f: {  	s4 =	ssub.s32 $0x0, s20;
	[sflag:s22] =	ssyncset.done $0x0  }
0xa0: {  	[sflag:s22] =	ssyncadd.s32 s4;
	_ =	sdelay $0x1  }
0xa1: {  	s23 =	simm.s32 $0x1B8B  }
0xa2: {  	_ =	swait.ge [sflag:s23], $0x1  }
0xa3: {  	[sflag:s23] =	ssyncset.done $0x0  }
0xa4: {  	s25 =	simm.s32 $0x1B8E;
	s24 =	sld [smem:$0x3FFE];
	[sflag:s23] =	ssyncadd.s32 $0xFFFFFFFF  }
0xa5: {  	s26 =	simm.s32 $execute0_lowered;
	[smem:$0x3FD2] =	sst s25  }
0xa6: {  	s5 =	sshll.u32 s26, $0x1;
	_ =	strace $0x80000046;
	[dreg:$0x1] =	wrdreg $0xFFFFFFFF  }
0xa7: {  	s28 =	simm.s32 $_size_execute0_lowered;
	s3 =	sadd.s32 s3, s5;
	[dreg:$0x0] =	wrdreg $0x0  }
0xa8: {  	s5 =	sshll.u32 s28, $0x1;
	[dreg:$0x2] =	wrdreg s3  }
0xa9: {  	[dreg:$0x3] =	wrdreg s5  }
0xaa: {  	[dreg:$0x4] =	wrdreg $0xC0  }
0xab: {  	_ =	task [dreg:s7], $0x5FFFF  }
0xac: {  	[dreg:$0x1] =	wrdreg $0xFFFFFFFF  }
0xad: {  	[dreg:$0x0] =	wrdreg $0x60  }
0xae: {  	[dreg:$0x2] =	wrdreg s24  }
0xaf: {  	[dreg:$0x3] =	wrdreg s2  }
0xb0: {  	[dreg:$0x4] =	wrdreg $0x9  }
0xb1: {  	_ =	task.clear_ibuf [dreg:s7], $0x5FFFF;
	_ =	strace $0x90000046  }
0xb2: {  	s29 =	simm.s32 $0x9;
	_ =	strace $0x80000048  }
0xb3: {  	_ =	swait.ge [sflag:s29], $0x1  }
0xb4: {  	[sflag:s29] =	ssyncadd.s32 $0xFFFFFFFF  }
0xb5: {  	_ =	strace $0x90000048  }
0xb6: {  	_ =	sfence  }
0xb7: {  	s30 =	sld [smem:$0x0];
	_ =	sdelay $0x2  }
0xb8: {  	s31 =	sshll.u32 s1, $0xD;
	s1 =	sshrl.u32 s1, $0x2  }
0xb9: {  	s3 =	sand.u32 $0x4000, s31;
	s1 =	sadd.s32 s1, s30  }
0xba: {  	s0 =	sor.u32 s3, s0;
	s1 =	sshll.u32 s1, $0x11  }
0xbb: {  	s0 =	sor.u32 s1, s0  }
0xbc: {  	s0 =	sadd.s32 $0x8F2B, s0  }
0xbd: {  	[sflag:s0] =	ssyncadd.remote.s32 $0x1  }
0xbe: {  	_ =	sfence.sel $0xFFFF  }
0xbf: {  	[dreg:$0x0] =	wrdreg $0xFFFFFFFF;
	(pc) =	sbr.abs _section_cstart, $3  }
0xc0: {  	[dreg:$0x1] =	wrdreg $0xFFFFFFFF  }
0xc1: {  	_ =	task.clear_ibuf [dreg:s7], $0x2FFFF;
	_ =	strace $0x9FFFFFFF  }
0xc2: {  	(tm) =	ssettm $0x7FFFFFFF  }
0xc3: {  	_ =	shalt  }
tec
execute0_lowered:
.L_overlay_start_1:
0x0: {  	(tag) =	ssettag $0x1  }
0x1: {  	s0 =	rddreg [dreg:$0x0]  }
0x2: {  	s1 =	srdreg.scid;
	s9 =	stileid.u32  }
0x3: {  	s4 =	rddreg [dreg:$0x1];
	s2 =	simm.s32 $0x0;
	s15 =	simm.s32 $0x9  }
0x4: {  	s17 =	simm.s32 $0x5000;
	s30 =	simm.s32 $0x1;
	s31 =	simm.s32 $0xB000  }
0x5: {  	s13 =	simm.s32 $0x2;
	s29 =	simm.s32 $0x3;
	s11 =	simm.s32 $0x10800  }
0x6: {  	s12 =	simm.s32 $0x11800;
	s14 =	simm.s32 $0x12000;
	s1 =	sand.u32 $0x1, s1  }
0x7: {  	s3 =	sshll.u32 s9, $0x1;
	[smem:$0x7FF] =	sst s2;
	s9 =	smul.u32 $0x4E200, s9  }
0x8: {  	s5 =	sor.u32 s1, s3;
	s7 =	ssub.s32 $0x2, s1;
	s1 =	smul.u32 $0x27100, s1  }
0x9: {  	s16 =	simm.s32 $0x14000;
	_ =	strace $0x80000047;
	s6 =	smul.u32 $0x1388, s5  }
0xa: {  	s3 =	sadd.s32 $0xF000, s0;
	s8 =	sshrl.u32 s7, $0x1;
	s18 =	smul.u32 $0x138800, s5  }
0xb: {  	s21 =	smul.u32 $0x27100, s5;
	s19 =	ssub.s32 s7, s8;
	s7 =	sshll.u32 s5, $0x8  }
0xc: {  	s5 =	simm.s32 $0x0;
	s8 =	simm.s32 $0x15800;
	s6 =	sshrl.u32 s6, $0x3  }
0xd: {  	s23 =	sadd.s32 s4, s21;
	s28 =	smax.u32 s19, $0x1;
	s19 =	simm.s32 $0x5  }
0xe: {  	s21 =	simm.s32 $0x7;
	s10 =	sadd.s32 s0, s6;
	[dreg:$0x7] =	wrdreg s23  }
0xf: {  	s0 =	sshrl.u32 s18, $0x3;
	[dreg:$0xc] =	wrdreg s28;
	s18 =	simm.s32 $0x4  }
0x10: {  	s6 =	simm.s32 $0x15000;
	s20 =	sadd.s32 $0xA000, s10;
	[dreg:$0x4] =	wrdreg s10  }
0x11: {  	s22 =	sadd.s32 $0x5000, s10;
	s0 =	sadd.s32 s4, s0;
	[dreg:$0x5] =	wrdreg s20  }
0x12: {  	s4 =	sadd.s32 s9, s4;
	[dreg:$0x6] =	wrdreg s22;
	s24 =	sadd.s32 $0xC00, s0  }
0x13: {  	s9 =	simm.s32 $0x16000;
	s25 =	sadd.s32 $0x1800, s0;
	[dreg:$0x8] =	wrdreg s24  }
0x14: {  	s10 =	simm.s32 $0x16800;
	s26 =	sadd.s32 $0x26400, s0;
	[dreg:$0x9] =	wrdreg s25  }
0x15: {  	v2 =	vlaneseq.u32;
	s1 =	sadd.s32 s1, s4;
	s0 =	sadd.s32 $0x27000, s0;
	[dreg:$0xa] =	wrdreg s26  }
0x16: {  	vm0 =	vmmov $0xffff;
	v1 =	vshrl.u32 v2, $0x3;
	s4 =	simm.s32 $0x11000;
	s20 =	simm.s32 $0x6;
	[dreg:$0xb] =	wrdreg s0  }
0x17: {  	v0 =	vand.u32 $0x7, v2;
	v2 =	vor.u32 $0x8, v2;
	v1 =	vmul.u32 $0x8, v1;
	s22 =	simm.s32 $0x8;
	[dreg:$0x3] =	wrdreg s1;
	s1 =	simm.s32 $0x17000  }
.LBB2_1:
0x18: {  	[dreg:$0xd] =	wrdreg s5  }
0x19: {  	s0 =	rddreg [dreg:$0x5]  }
0x1a: {  	[tilespmem:s2], [sflag:$0x9] =	stream.linear.gather [hbm4b:s0+s2], $0x1388, $0x38;
	[tilespmem:$0x1D000] =	vst v63  }
0x1b: {  	_ =	swait.ge [sflag:s15], $0x1388  }
0x1c: {  	[sflag:s15] =	ssyncset.done $0x0  }
0x1d: {  	s23 =	simm.s32 $0x1400;
	s24 =	rddreg [dreg:$0x6];
	[sflag:s15] =	ssyncadd.s32 $0xFFFFEC78  }
0x1e: {  	[tilespmem:s23], [sflag:$0x9] =	stream.linear.gather [hbm4b:s24+s2], $0x1388, $0x38;
	[tilespmem:$0x1D000] =	vst v63  }
0x1f: {  	_ =	swait.ge [sflag:s15], $0x1388  }
0x20: {  	[sflag:s15] =	ssyncset.done $0x0  }
0x21: {  	s26 =	simm.s32 $0x2800;
	s25 =	rddreg [dreg:$0x4];
	[sflag:s15] =	ssyncadd.s32 $0xFFFFEC78  }
0x22: {  	[tilespmem:s26], [sflag:$0x9] =	stream.linear.gather [hbm4b:s25+s2], $0x1388, $0x38;
	[tilespmem:$0x1D000] =	vst v63  }
0x23: {  	_ =	swait.ge [sflag:s15], $0x1388  }
0x24: {  	[sflag:s15] =	ssyncset.done $0x0  }
0x25: {  	s23 =	simm.s32 $0x0;
	[sflag:s15] =	ssyncadd.s32 $0xFFFFEC78  }
0x26: {  	v3 =	vld [tilespmem:s23+$0x0]  }
0x27: {  	v4 =	vld [tilespmem:s23+$0x1400];
	_ =	sdelay $0x1  }
0x28: {  	v5 =	vld [tilespmem:s23+$0x2800];
	_ =	sdelay $0x1  }
0x29: {  	v6 =	vmul.u32 $0xC, v3  }
0x2a: {  	s24 =	simm.s32 $0x10;
	v4 =	vshll.u32 v4, $0x1  }
0x2b: {  	v3 =	vld [tilespmem:s24+$0x0];
	v6 =	vadd.s32 v6, v4  }
0x2c: {  	v4 =	vld [tilespmem:s24+$0x1400];
	v6 =	vadd.s32 v5, v6  }
0x2d: {  	s28 =	simm.s32 $0x80;
	s25 =	simm.s32 $0x40;
	s26 =	simm.s32 $0x0;
	v5 =	vld [tilespmem:s24+$0x2800];
	vm1 =	vgt.s32 v6, $0x0  }
.LBB2_2:
0x2e: {  	s0 =	sshra.s32 s28, $0x2;
	s15 =	sand.u32 $0xC0, s26  }
0x2f: {  	v6 =	vnsel vm1, $0x0, v6;
	s26 =	smov.u32 s25;
	s25 =	smov.u32 s28;
	p0 =	sne.s32 s28, $0x4E00  }
.Ltmp0:
0x30: {  	s28 =	sadd.s32 $0x40, s28;
	v7 =	vmul.u32 $0xC, v3;
	v6 =	vmin.u32 v6, $0x3F;
	s15 =	sor.u32 s7, s15;
	(pc) =	sbr.rel @p0 .LBB2_2-.Ltmp0, $4  }
0x31: {  	v3 =	vld [tilespmem:s0+$0x0];
	v8 =	vshll.u32 v4, $0x1;
	v6 =	vor.u32 s15, v6  }
0x32: {  	v4 =	vld [tilespmem:s0+$0x1400];
	v7 =	vadd.s32 v7, v8;
	[tilespmem:s23+$0x3C00] =	vst v6;
	s23 =	smov.u32 s24;
	s24 =	smov.u32 s0  }
0x33: {  	v6 =	vadd.s32 v5, v7  }
0x34: {  	v5 =	vld [tilespmem:s24+$0x2800];
	vm1 =	vgt.s32 v6, $0x0  }
0x35: {  	_ = 	snop  }
0x36: {  	v3 =	vmul.u32 $0xC, v3  }
0x37: {  	v4 =	vshll.u32 v4, $0x1  }
0x38: {  	v3 =	vadd.s32 v3, v4  }
0x39: {  	v3 =	vadd.s32 v5, v3  }
0x3a: {  	v39 =	vnsel vm1, $0x0, v6;
	s0 =	sand.u32 $0xC0, s26;
	vm1 =	vgt.s32 v3, $0x0  }
0x3b: {  	s15 =	sand.u32 $0xC0, s25;
	s0 =	sor.u32 s7, s0;
	v4 =	vmin.u32 v39, $0x3F;
	v3 =	vnsel vm1, $0x0, v3  }
0x3c: {  	s25 =	sor.u32 s7, s15;
	v4 =	vor.u32 s0, v4;
	v3 =	vmin.u32 v3, $0x3F  }
0x3d: {  	[tilespmem:s23+$0x3C00] =	vst v4;
	v3 =	vor.u32 s25, v3  }
0x3e: {  	[tilespmem:s24+$0x3C00] =	vst v3  }
0x3f: {  	v3 =	vld [tilespmem:$0x3C00];
	_ =	sdelay $0x4  }
0x40: {  	v40 =	vshll.u32 v3, $0x1  }
0x41: {  	v3 =	vand.u32 $0x7, v3;
	v4 =	vand.u32 $0xFFFFFFF0, v40  }
0x42: {  	v3 =	vor.u32 v3, v4  }
0x43: {  	v4 =	vperm.xlane v3, v0;
	_ =	sdelay $0x1  }
0x44: {  	v3 =	vperm.xlane v3, v2;
	v4 =	vadd.s32 v1, v4;
	_ =	sdelay $0x1  }
0x45: {  	v3 =	vadd.s32 v1, v3;
	_ =	sdelay $0x1  }
0x46: {  	s23 =	simm.s32 $0x0  }
0x47: {  	[tilespmem:s17], [sflag:$0x1] =	stream.indirect_vreg.gather [hbm4b:s3+s23], $0x80, v4, vm0, $0xb8;
	[tilespmem:$0x1D000] =	vst v63  }
0x48: {  	s26 =	simm.s32 $0x5800  }
0x49: {  	[tilespmem:s26], [sflag:$0x1] =	stream.indirect_vreg.gather [hbm4b:s3+s23], $0x80, v3, vm0, $0xb8;
	[tilespmem:$0x1D000] =	vst v63  }
0x4a: {  	v3 =	vld [tilespmem:$0x3C10];
	_ =	sdelay $0x4  }
0x4b: {  	v41 =	vshll.u32 v3, $0x1  }
0x4c: {  	v3 =	vand.u32 $0x7, v3;
	v4 =	vand.u32 $0xFFFFFFF0, v41  }
0x4d: {  	v3 =	vor.u32 v3, v4  }
0x4e: {  	v4 =	vperm.xlane v3, v0;
	_ =	sdelay $0x1  }
0x4f: {  	v3 =	vperm.xlane v3, v2;
	v4 =	vadd.s32 v1, v4;
	_ =	sdelay $0x1  }
0x50: {  	v3 =	vadd.s32 v1, v3;
	_ =	sdelay $0x1  }
0x51: {  	s5 =	simm.s32 $0x6000  }
0x52: {  	[tilespmem:s5], [sflag:$0x1] =	stream.indirect_vreg.gather [hbm4b:s3+s23], $0x80, v4, vm0, $0xb8;
	[tilespmem:$0x1D000] =	vst v63  }
0x53: {  	s15 =	simm.s32 $0x6800  }
0x54: {  	[tilespmem:s15], [sflag:$0x1] =	stream.indirect_vreg.gather [hbm4b:s3+s23], $0x80, v3, vm0, $0xb8;
	[tilespmem:$0x1D000] =	vst v63  }
0x55: {  	v3 =	vld [tilespmem:$0x3C20];
	_ =	sdelay $0x4  }
0x56: {  	v42 =	vshll.u32 v3, $0x1  }
0x57: {  	v3 =	vand.u32 $0x7, v3;
	v4 =	vand.u32 $0xFFFFFFF0, v42  }
0x58: {  	v3 =	vor.u32 v3, v4  }
0x59: {  	v4 =	vperm.xlane v3, v0;
	_ =	sdelay $0x1  }
0x5a: {  	v3 =	vperm.xlane v3, v2;
	v4 =	vadd.s32 v1, v4;
	_ =	sdelay $0x1  }
0x5b: {  	v3 =	vadd.s32 v1, v3;
	_ =	sdelay $0x1  }
0x5c: {  	s24 =	simm.s32 $0x7000  }
0x5d: {  	[tilespmem:s24], [sflag:$0x1] =	stream.indirect_vreg.gather [hbm4b:s3+s23], $0x80, v4, vm0, $0xb8;
	[tilespmem:$0x1D000] =	vst v63  }
0x5e: {  	s25 =	simm.s32 $0x7800  }
0x5f: {  	[tilespmem:s25], [sflag:$0x1] =	stream.indirect_vreg.gather [hbm4b:s3+s23], $0x80, v3, vm0, $0xb8;
	[tilespmem:$0x1D000] =	vst v63  }
0x60: {  	v3 =	vld [tilespmem:$0x3C30];
	_ =	sdelay $0x4  }
0x61: {  	v43 =	vshll.u32 v3, $0x1  }
0x62: {  	v3 =	vand.u32 $0x7, v3;
	v4 =	vand.u32 $0xFFFFFFF0, v43  }
0x63: {  	v3 =	vor.u32 v3, v4  }
0x64: {  	v4 =	vperm.xlane v3, v0;
	_ =	sdelay $0x1  }
0x65: {  	v3 =	vperm.xlane v3, v2;
	v4 =	vadd.s32 v1, v4;
	_ =	sdelay $0x1  }
0x66: {  	v3 =	vadd.s32 v1, v3;
	_ =	sdelay $0x1  }
0x67: {  	s26 =	simm.s32 $0x8000  }
0x68: {  	[tilespmem:s26], [sflag:$0x1] =	stream.indirect_vreg.gather [hbm4b:s3+s23], $0x80, v4, vm0, $0xb8;
	[tilespmem:$0x1D000] =	vst v63  }
0x69: {  	s5 =	simm.s32 $0x8800  }
0x6a: {  	[tilespmem:s5], [sflag:$0x1] =	stream.indirect_vreg.gather [hbm4b:s3+s23], $0x80, v3, vm0, $0xb8;
	[tilespmem:$0x1D000] =	vst v63  }
0x6b: {  	v3 =	vld [tilespmem:$0x3C40];
	_ =	sdelay $0x4  }
0x6c: {  	v44 =	vshll.u32 v3, $0x1  }
0x6d: {  	v3 =	vand.u32 $0x7, v3;
	v4 =	vand.u32 $0xFFFFFFF0, v44  }
0x6e: {  	v3 =	vor.u32 v3, v4  }
0x6f: {  	v4 =	vperm.xlane v3, v0;
	_ =	sdelay $0x1  }
0x70: {  	v3 =	vperm.xlane v3, v2;
	v4 =	vadd.s32 v1, v4;
	_ =	sdelay $0x1  }
0x71: {  	v3 =	vadd.s32 v1, v3;
	_ =	sdelay $0x1  }
0x72: {  	s15 =	simm.s32 $0x9000  }
0x73: {  	[tilespmem:s15], [sflag:$0x1] =	stream.indirect_vreg.gather [hbm4b:s3+s23], $0x80, v4, vm0, $0xb8;
	[tilespmem:$0x1D000] =	vst v63  }
0x74: {  	s24 =	simm.s32 $0x9800  }
0x75: {  	[tilespmem:s24], [sflag:$0x1] =	stream.indirect_vreg.gather [hbm4b:s3+s23], $0x80, v3, vm0, $0xb8;
	[tilespmem:$0x1D000] =	vst v63  }
0x76: {  	v3 =	vld [tilespmem:$0x3C50];
	_ =	sdelay $0x4  }
0x77: {  	v45 =	vshll.u32 v3, $0x1  }
0x78: {  	v3 =	vand.u32 $0x7, v3;
	v4 =	vand.u32 $0xFFFFFFF0, v45  }
0x79: {  	v3 =	vor.u32 v3, v4  }
0x7a: {  	v4 =	vperm.xlane v3, v0;
	_ =	sdelay $0x1  }
0x7b: {  	v3 =	vperm.xlane v3, v2;
	v4 =	vadd.s32 v1, v4;
	_ =	sdelay $0x1  }
0x7c: {  	v3 =	vadd.s32 v1, v3;
	_ =	sdelay $0x1  }
0x7d: {  	s25 =	simm.s32 $0xA000  }
0x7e: {  	[tilespmem:s25], [sflag:$0x1] =	stream.indirect_vreg.gather [hbm4b:s3+s23], $0x80, v4, vm0, $0xb8;
	[tilespmem:$0x1D000] =	vst v63  }
0x7f: {  	s26 =	simm.s32 $0xA800  }
0x80: {  	[tilespmem:s26], [sflag:$0x1] =	stream.indirect_vreg.gather [hbm4b:s3+s23], $0x80, v3, vm0, $0xb8;
	[tilespmem:$0x1D000] =	vst v63  }
0x81: {  	_ =	swait.ge [sflag:s30], $0x6000  }
0x82: {  	[sflag:s30] =	ssyncset.done $0x0  }
0x83: {  	s5 =	rddreg [dreg:$0x7];
	[sflag:s30] =	ssyncadd.s32 $0xFFFFA000  }
0x84: {  	[hbm4b:s5+s23] =	stream.linear.scatter [tilespmem:s17], [sflag:$0x5], $0x6000, $0x38;
	[tilespmem:$0x1D000] =	vst v63  }
0x85: {  	v3 =	vld [tilespmem:$0x3C60];
	_ =	sdelay $0x4  }
0x86: {  	v46 =	vshll.u32 v3, $0x1  }
0x87: {  	v3 =	vand.u32 $0x7, v3;
	v4 =	vand.u32 $0xFFFFFFF0, v46  }
0x88: {  	v3 =	vor.u32 v3, v4  }
0x89: {  	v4 =	vperm.xlane v3, v0;
	_ =	sdelay $0x1  }
0x8a: {  	v3 =	vperm.xlane v3, v2;
	v4 =	vadd.s32 v1, v4;
	_ =	sdelay $0x1  }
0x8b: {  	v3 =	vadd.s32 v1, v3;
	_ =	sdelay $0x2  }
0x8c: {  	[tilespmem:s31], [sflag:$0x2] =	stream.indirect_vreg.gather [hbm4b:s3+s23], $0x80, v4, vm0, $0xb8;
	[tilespmem:$0x1D000] =	vst v63  }
0x8d: {  	s15 =	simm.s32 $0xB800  }
0x8e: {  	[tilespmem:s15], [sflag:$0x2] =	stream.indirect_vreg.gather [hbm4b:s3+s23], $0x80, v3, vm0, $0xb8;
	[tilespmem:$0x1D000] =	vst v63  }
0x8f: {  	v3 =	vld [tilespmem:$0x3C70];
	_ =	sdelay $0x4  }
0x90: {  	v47 =	vshll.u32 v3, $0x1  }
0x91: {  	v3 =	vand.u32 $0x7, v3;
	v4 =	vand.u32 $0xFFFFFFF0, v47  }
0x92: {  	v3 =	vor.u32 v3, v4  }
0x93: {  	v4 =	vperm.xlane v3, v0;
	_ =	sdelay $0x1  }
0x94: {  	v3 =	vperm.xlane v3, v2;
	v4 =	vadd.s32 v1, v4;
	_ =	sdelay $0x1  }
0x95: {  	v3 =	vadd.s32 v1, v3;
	_ =	sdelay $0x1  }
0x96: {  	s24 =	simm.s32 $0xC000  }
0x97: {  	[tilespmem:s24], [sflag:$0x2] =	stream.indirect_vreg.gather [hbm4b:s3+s23], $0x80, v4, vm0, $0xb8;
	[tilespmem:$0x1D000] =	vst v63  }
0x98: {  	s25 =	simm.s32 $0xC800  }
0x99: {  	[tilespmem:s25], [sflag:$0x2] =	stream.indirect_vreg.gather [hbm4b:s3+s23], $0x80, v3, vm0, $0xb8;
	[tilespmem:$0x1D000] =	vst v63  }
0x9a: {  	v3 =	vld [tilespmem:$0x3C80];
	_ =	sdelay $0x4  }
0x9b: {  	v48 =	vshll.u32 v3, $0x1  }
0x9c: {  	v3 =	vand.u32 $0x7, v3;
	v4 =	vand.u32 $0xFFFFFFF0, v48  }
0x9d: {  	v3 =	vor.u32 v3, v4  }
0x9e: {  	v4 =	vperm.xlane v3, v0;
	_ =	sdelay $0x1  }
0x9f: {  	v3 =	vperm.xlane v3, v2;
	v4 =	vadd.s32 v1, v4;
	_ =	sdelay $0x1  }
0xa0: {  	v3 =	vadd.s32 v1, v3;
	_ =	sdelay $0x1  }
0xa1: {  	s26 =	simm.s32 $0xD000  }
0xa2: {  	[tilespmem:s26], [sflag:$0x2] =	stream.indirect_vreg.gather [hbm4b:s3+s23], $0x80, v4, vm0, $0xb8;
	[tilespmem:$0x1D000] =	vst v63  }
0xa3: {  	s5 =	simm.s32 $0xD800  }
0xa4: {  	[tilespmem:s5], [sflag:$0x2] =	stream.indirect_vreg.gather [hbm4b:s3+s23], $0x80, v3, vm0, $0xb8;
	[tilespmem:$0x1D000] =	vst v63  }
0xa5: {  	v3 =	vld [tilespmem:$0x3C90];
	_ =	sdelay $0x4  }
0xa6: {  	v49 =	vshll.u32 v3, $0x1  }
0xa7: {  	v3 =	vand.u32 $0x7, v3;
	v4 =	vand.u32 $0xFFFFFFF0, v49  }
0xa8: {  	v3 =	vor.u32 v3, v4  }
0xa9: {  	v4 =	vperm.xlane v3, v0;
	_ =	sdelay $0x1  }
0xaa: {  	v3 =	vperm.xlane v3, v2;
	v4 =	vadd.s32 v1, v4;
	_ =	sdelay $0x1  }
0xab: {  	v3 =	vadd.s32 v1, v3;
	_ =	sdelay $0x1  }
0xac: {  	s15 =	simm.s32 $0xE000  }
0xad: {  	[tilespmem:s15], [sflag:$0x2] =	stream.indirect_vreg.gather [hbm4b:s3+s23], $0x80, v4, vm0, $0xb8;
	[tilespmem:$0x1D000] =	vst v63  }
0xae: {  	s24 =	simm.s32 $0xE800  }
0xaf: {  	[tilespmem:s24], [sflag:$0x2] =	stream.indirect_vreg.gather [hbm4b:s3+s23], $0x80, v3, vm0, $0xb8;
	[tilespmem:$0x1D000] =	vst v63  }
0xb0: {  	v3 =	vld [tilespmem:$0x3CA0];
	_ =	sdelay $0x4  }
0xb1: {  	v50 =	vshll.u32 v3, $0x1  }
0xb2: {  	v3 =	vand.u32 $0x7, v3;
	v4 =	vand.u32 $0xFFFFFFF0, v50  }
0xb3: {  	v3 =	vor.u32 v3, v4  }
0xb4: {  	v4 =	vperm.xlane v3, v0;
	_ =	sdelay $0x1  }
0xb5: {  	v3 =	vperm.xlane v3, v2;
	v4 =	vadd.s32 v1, v4;
	_ =	sdelay $0x1  }
0xb6: {  	v3 =	vadd.s32 v1, v3;
	_ =	sdelay $0x1  }
0xb7: {  	s25 =	simm.s32 $0xF000  }
0xb8: {  	[tilespmem:s25], [sflag:$0x2] =	stream.indirect_vreg.gather [hbm4b:s3+s23], $0x80, v4, vm0, $0xb8;
	[tilespmem:$0x1D000] =	vst v63  }
0xb9: {  	s26 =	simm.s32 $0xF800  }
0xba: {  	[tilespmem:s26], [sflag:$0x2] =	stream.indirect_vreg.gather [hbm4b:s3+s23], $0x80, v3, vm0, $0xb8;
	[tilespmem:$0x1D000] =	vst v63  }
0xbb: {  	v3 =	vld [tilespmem:$0x3CB0];
	_ =	sdelay $0x4  }
0xbc: {  	v51 =	vshll.u32 v3, $0x1  }
0xbd: {  	v3 =	vand.u32 $0x7, v3;
	v4 =	vand.u32 $0xFFFFFFF0, v51  }
0xbe: {  	v3 =	vor.u32 v3, v4  }
0xbf: {  	v4 =	vperm.xlane v3, v0;
	_ =	sdelay $0x1  }
0xc0: {  	v3 =	vperm.xlane v3, v2;
	v4 =	vadd.s32 v1, v4;
	_ =	sdelay $0x1  }
0xc1: {  	v3 =	vadd.s32 v1, v3;
	_ =	sdelay $0x1  }
0xc2: {  	s5 =	simm.s32 $0x10000  }
0xc3: {  	[tilespmem:s5], [sflag:$0x2] =	stream.indirect_vreg.gather [hbm4b:s3+s23], $0x80, v4, vm0, $0xb8;
	[tilespmem:$0x1D000] =	vst v63  }
0xc4: {  	_ = 	snop  }
0xc5: {  	[tilespmem:s11], [sflag:$0x2] =	stream.indirect_vreg.gather [hbm4b:s3+s23], $0x80, v3, vm0, $0xb8;
	[tilespmem:$0x1D000] =	vst v63  }
0xc6: {  	_ =	swait.ge [sflag:s13], $0x6000  }
0xc7: {  	[sflag:s13] =	ssyncset.done $0x0  }
0xc8: {  	s15 =	rddreg [dreg:$0x8];
	[sflag:s13] =	ssyncadd.s32 $0xFFFFA000  }
0xc9: {  	[hbm4b:s15+s23] =	stream.linear.scatter [tilespmem:s31], [sflag:$0x6], $0x6000, $0x38;
	[tilespmem:$0x1D000] =	vst v63  }
0xca: {  	v3 =	vld [tilespmem:$0x3CC0];
	_ =	sdelay $0x4  }
0xcb: {  	v52 =	vshll.u32 v3, $0x1  }
0xcc: {  	v3 =	vand.u32 $0x7, v3;
	v4 =	vand.u32 $0xFFFFFFF0, v52  }
0xcd: {  	v3 =	vor.u32 v3, v4  }
0xce: {  	v4 =	vperm.xlane v3, v0;
	_ =	sdelay $0x1  }
0xcf: {  	v3 =	vperm.xlane v3, v2;
	v4 =	vadd.s32 v1, v4;
	_ =	sdelay $0x1  }
0xd0: {  	v3 =	vadd.s32 v1, v3;
	_ =	sdelay $0x2  }
0xd1: {  	[tilespmem:s4], [sflag:$0x3] =	stream.indirect_vreg.gather [hbm4b:s3+s23], $0x80, v4, vm0, $0xb8;
	[tilespmem:$0x1D000] =	vst v63  }
0xd2: {  	_ = 	snop  }
0xd3: {  	[tilespmem:s12], [sflag:$0x3] =	stream.indirect_vreg.gather [hbm4b:s3+s23], $0x80, v3, vm0, $0xb8;
	[tilespmem:$0x1D000] =	vst v63  }
0xd4: {  	v3 =	vld [tilespmem:$0x3CD0];
	_ =	sdelay $0x4  }
0xd5: {  	v53 =	vshll.u32 v3, $0x1  }
0xd6: {  	v3 =	vand.u32 $0x7, v3;
	v4 =	vand.u32 $0xFFFFFFF0, v53  }
0xd7: {  	v3 =	vor.u32 v3, v4  }
0xd8: {  	v4 =	vperm.xlane v3, v0;
	_ =	sdelay $0x1  }
0xd9: {  	v3 =	vperm.xlane v3, v2;
	v4 =	vadd.s32 v1, v4;
	_ =	sdelay $0x1  }
0xda: {  	v3 =	vadd.s32 v1, v3;
	_ =	sdelay $0x2  }
0xdb: {  	[tilespmem:s14], [sflag:$0x3] =	stream.indirect_vreg.gather [hbm4b:s3+s23], $0x80, v4, vm0, $0xb8;
	[tilespmem:$0x1D000] =	vst v63  }
0xdc: {  	s15 =	simm.s32 $0x12800  }
0xdd: {  	[tilespmem:s15], [sflag:$0x3] =	stream.indirect_vreg.gather [hbm4b:s3+s23], $0x80, v3, vm0, $0xb8;
	[tilespmem:$0x1D000] =	vst v63  }
0xde: {  	v3 =	vld [tilespmem:$0x3CE0];
	_ =	sdelay $0x4  }
0xdf: {  	v54 =	vshll.u32 v3, $0x1  }
0xe0: {  	v3 =	vand.u32 $0x7, v3;
	v4 =	vand.u32 $0xFFFFFFF0, v54  }
0xe1: {  	v3 =	vor.u32 v3, v4  }
0xe2: {  	v4 =	vperm.xlane v3, v0;
	_ =	sdelay $0x1  }
0xe3: {  	v3 =	vperm.xlane v3, v2;
	v4 =	vadd.s32 v1, v4;
	_ =	sdelay $0x1  }
0xe4: {  	v3 =	vadd.s32 v1, v3;
	_ =	sdelay $0x1  }
0xe5: {  	s26 =	simm.s32 $0x13000  }
0xe6: {  	[tilespmem:s26], [sflag:$0x3] =	stream.indirect_vreg.gather [hbm4b:s3+s23], $0x80, v4, vm0, $0xb8;
	[tilespmem:$0x1D000] =	vst v63  }
0xe7: {  	s28 =	simm.s32 $0x13800  }
0xe8: {  	[tilespmem:s28], [sflag:$0x3] =	stream.indirect_vreg.gather [hbm4b:s3+s23], $0x80, v3, vm0, $0xb8;
	[tilespmem:$0x1D000] =	vst v63  }
0xe9: {  	v3 =	vld [tilespmem:$0x3CF0];
	_ =	sdelay $0x4  }
0xea: {  	v55 =	vshll.u32 v3, $0x1  }
0xeb: {  	v3 =	vand.u32 $0x7, v3;
	v4 =	vand.u32 $0xFFFFFFF0, v55  }
0xec: {  	v3 =	vor.u32 v3, v4  }
0xed: {  	v4 =	vperm.xlane v3, v0;
	_ =	sdelay $0x1  }
0xee: {  	v3 =	vperm.xlane v3, v2;
	v4 =	vadd.s32 v1, v4;
	_ =	sdelay $0x1  }
0xef: {  	v3 =	vadd.s32 v1, v3;
	_ =	sdelay $0x2  }
0xf0: {  	[tilespmem:s16], [sflag:$0x3] =	stream.indirect_vreg.gather [hbm4b:s3+s23], $0x80, v4, vm0, $0xb8;
	[tilespmem:$0x1D000] =	vst v63  }
0xf1: {  	s5 =	simm.s32 $0x14800  }
0xf2: {  	[tilespmem:s5], [sflag:$0x3] =	stream.indirect_vreg.gather [hbm4b:s3+s23], $0x80, v3, vm0, $0xb8;
	[tilespmem:$0x1D000] =	vst v63  }
0xf3: {  	v3 =	vld [tilespmem:$0x3D00];
	_ =	sdelay $0x4  }
0xf4: {  	v56 =	vshll.u32 v3, $0x1  }
0xf5: {  	v3 =	vand.u32 $0x7, v3;
	v4 =	vand.u32 $0xFFFFFFF0, v56  }
0xf6: {  	v3 =	vor.u32 v3, v4  }
0xf7: {  	v4 =	vperm.xlane v3, v0;
	_ =	sdelay $0x1  }
0xf8: {  	v3 =	vperm.xlane v3, v2;
	v4 =	vadd.s32 v1, v4;
	_ =	sdelay $0x1  }
0xf9: {  	v3 =	vadd.s32 v1, v3;
	_ =	sdelay $0x2  }
0xfa: {  	[tilespmem:s6], [sflag:$0x3] =	stream.indirect_vreg.gather [hbm4b:s3+s23], $0x80, v4, vm0, $0xb8;
	[tilespmem:$0x1D000] =	vst v63  }
0xfb: {  	_ = 	snop  }
0xfc: {  	[tilespmem:s8], [sflag:$0x3] =	stream.indirect_vreg.gather [hbm4b:s3+s23], $0x80, v3, vm0, $0xb8;
	[tilespmem:$0x1D000] =	vst v63  }
0xfd: {  	v3 =	vld [tilespmem:$0x3D10];
	_ =	sdelay $0x4  }
0xfe: {  	v57 =	vshll.u32 v3, $0x1  }
0xff: {  	v3 =	vand.u32 $0x7, v3;
	v4 =	vand.u32 $0xFFFFFFF0, v57  }
0x100: {  	v3 =	vor.u32 v3, v4  }
0x101: {  	v4 =	vperm.xlane v3, v0;
	_ =	sdelay $0x1  }
0x102: {  	v3 =	vperm.xlane v3, v2;
	v4 =	vadd.s32 v1, v4;
	_ =	sdelay $0x1  }
0x103: {  	v3 =	vadd.s32 v1, v3;
	_ =	sdelay $0x2  }
0x104: {  	[tilespmem:s9], [sflag:$0x3] =	stream.indirect_vreg.gather [hbm4b:s3+s23], $0x80, v4, vm0, $0xb8;
	[tilespmem:$0x1D000] =	vst v63  }
0x105: {  	_ = 	snop  }
0x106: {  	[tilespmem:s10], [sflag:$0x3] =	stream.indirect_vreg.gather [hbm4b:s3+s23], $0x80, v3, vm0, $0xb8;
	[tilespmem:$0x1D000] =	vst v63  }
0x107: {  	_ =	swait.ge [sflag:s29], $0x6000  }
0x108: {  	[sflag:s29] =	ssyncset.done $0x0  }
0x109: {  	s24 =	rddreg [dreg:$0x9];
	[sflag:s29] =	ssyncadd.s32 $0xFFFFA000  }
0x10a: {  	[hbm4b:s24+s23] =	stream.linear.scatter [tilespmem:s4], [sflag:$0x7], $0x6000, $0x38;
	[tilespmem:$0x1D000] =	vst v63  }
0x10b: {  	v3 =	vld [tilespmem:$0x3D20];
	_ =	sdelay $0x4  }
0x10c: {  	v58 =	vshll.u32 v3, $0x1  }
0x10d: {  	v3 =	vand.u32 $0x7, v3;
	v4 =	vand.u32 $0xFFFFFFF0, v58  }
0x10e: {  	v3 =	vor.u32 v3, v4  }
0x10f: {  	v4 =	vperm.xlane v3, v0;
	_ =	sdelay $0x1  }
0x110: {  	v3 =	vperm.xlane v3, v2;
	v4 =	vadd.s32 v1, v4;
	_ =	sdelay $0x1  }
0x111: {  	v3 =	vadd.s32 v1, v3;
	_ =	sdelay $0x2  }
0x112: {  	[tilespmem:s1], [sflag:$0x4] =	stream.indirect_vreg.gather [hbm4b:s3+s23], $0x80, v4, vm0, $0xb8;
	[tilespmem:$0x1D000] =	vst v63  }
0x113: {  	s25 =	simm.s32 $0x17800  }
0x114: {  	[tilespmem:s25], [sflag:$0x4] =	stream.indirect_vreg.gather [hbm4b:s3+s23], $0x80, v3, vm0, $0xb8;
	[tilespmem:$0x1D000] =	vst v63  }
0x115: {  	v3 =	vld [tilespmem:$0x3D30];
	_ =	sdelay $0x4  }
0x116: {  	v59 =	vshll.u32 v3, $0x1  }
0x117: {  	v3 =	vand.u32 $0x7, v3;
	v4 =	vand.u32 $0xFFFFFFF0, v59  }
0x118: {  	v3 =	vor.u32 v3, v4  }
0x119: {  	v4 =	vperm.xlane v3, v0;
	_ =	sdelay $0x1  }
0x11a: {  	v3 =	vperm.xlane v3, v2;
	v4 =	vadd.s32 v1, v4;
	_ =	sdelay $0x1  }
0x11b: {  	v3 =	vadd.s32 v1, v3;
	_ =	sdelay $0x1  }
0x11c: {  	s24 =	simm.s32 $0x18000  }
0x11d: {  	[tilespmem:s24], [sflag:$0x4] =	stream.indirect_vreg.gather [hbm4b:s3+s23], $0x80, v4, vm0, $0xb8;
	[tilespmem:$0x1D000] =	vst v63  }
0x11e: {  	s25 =	simm.s32 $0x18800  }
0x11f: {  	[tilespmem:s25], [sflag:$0x4] =	stream.indirect_vreg.gather [hbm4b:s3+s23], $0x80, v3, vm0, $0xb8;
	[tilespmem:$0x1D000] =	vst v63  }
0x120: {  	v3 =	vld [tilespmem:$0x3D40];
	_ =	sdelay $0x4  }
0x121: {  	v60 =	vshll.u32 v3, $0x1  }
0x122: {  	v3 =	vand.u32 $0x7, v3;
	v4 =	vand.u32 $0xFFFFFFF0, v60  }
0x123: {  	v3 =	vor.u32 v3, v4  }
0x124: {  	v4 =	vperm.xlane v3, v0;
	_ =	sdelay $0x1  }
0x125: {  	v3 =	vperm.xlane v3, v2;
	v4 =	vadd.s32 v1, v4;
	_ =	sdelay $0x1  }
0x126: {  	v3 =	vadd.s32 v1, v3;
	_ =	sdelay $0x1  }
0x127: {  	s24 =	simm.s32 $0x19000  }
0x128: {  	[tilespmem:s24], [sflag:$0x4] =	stream.indirect_vreg.gather [hbm4b:s3+s23], $0x80, v4, vm0, $0xb8;
	[tilespmem:$0x1D000] =	vst v63  }
0x129: {  	s25 =	simm.s32 $0x19800  }
0x12a: {  	[tilespmem:s25], [sflag:$0x4] =	stream.indirect_vreg.gather [hbm4b:s3+s23], $0x80, v3, vm0, $0xb8;
	[tilespmem:$0x1D000] =	vst v63  }
0x12b: {  	v3 =	vld [tilespmem:$0x3D50];
	_ =	sdelay $0x4  }
0x12c: {  	v61 =	vshll.u32 v3, $0x1  }
0x12d: {  	v3 =	vand.u32 $0x7, v3;
	v4 =	vand.u32 $0xFFFFFFF0, v61  }
0x12e: {  	v3 =	vor.u32 v3, v4  }
0x12f: {  	v4 =	vperm.xlane v3, v0;
	_ =	sdelay $0x1  }
0x130: {  	v3 =	vperm.xlane v3, v2;
	v4 =	vadd.s32 v1, v4;
	_ =	sdelay $0x1  }
0x131: {  	v3 =	vadd.s32 v1, v3;
	_ =	sdelay $0x1  }
0x132: {  	s24 =	simm.s32 $0x1A000  }
0x133: {  	[tilespmem:s24], [sflag:$0x4] =	stream.indirect_vreg.gather [hbm4b:s3+s23], $0x80, v4, vm0, $0xb8;
	[tilespmem:$0x1D000] =	vst v63  }
0x134: {  	s25 =	simm.s32 $0x1A800  }
0x135: {  	[tilespmem:s25], [sflag:$0x4] =	stream.indirect_vreg.gather [hbm4b:s3+s23], $0x80, v3, vm0, $0xb8;
	[tilespmem:$0x1D000] =	vst v63  }
0x136: {  	v3 =	vld [tilespmem:$0x3D60];
	_ =	sdelay $0x4  }
0x137: {  	v62 =	vshll.u32 v3, $0x1  }
0x138: {  	v3 =	vand.u32 $0x7, v3;
	v4 =	vand.u32 $0xFFFFFFF0, v62  }
0x139: {  	v3 =	vor.u32 v3, v4  }
0x13a: {  	v4 =	vperm.xlane v3, v0;
	_ =	sdelay $0x1  }
0x13b: {  	v3 =	vperm.xlane v3, v2;
	v4 =	vadd.s32 v1, v4;
	_ =	sdelay $0x1  }
0x13c: {  	v3 =	vadd.s32 v1, v3;
	_ =	sdelay $0x1  }
0x13d: {  	s24 =	simm.s32 $0x1B000  }
0x13e: {  	[tilespmem:s24], [sflag:$0x4] =	stream.indirect_vreg.gather [hbm4b:s3+s23], $0x80, v4, vm0, $0xb8;
	[tilespmem:$0x1D000] =	vst v63  }
0x13f: {  	s25 =	simm.s32 $0x1B800  }
0x140: {  	[tilespmem:s25], [sflag:$0x4] =	stream.indirect_vreg.gather [hbm4b:s3+s23], $0x80, v3, vm0, $0xb8;
	[tilespmem:$0x1D000] =	vst v63  }
0x141: {  	v3 =	vld [tilespmem:$0x3D70];
	_ =	sdelay $0x4  }
0x142: {  	v63 =	vshll.u32 v3, $0x1  }
0x143: {  	v3 =	vand.u32 $0x7, v3;
	v4 =	vand.u32 $0xFFFFFFF0, v63  }
0x144: {  	v3 =	vor.u32 v3, v4  }
0x145: {  	v4 =	vperm.xlane v3, v0;
	_ =	sdelay $0x1  }
0x146: {  	v3 =	vperm.xlane v3, v2;
	v4 =	vadd.s32 v1, v4;
	_ =	sdelay $0x1  }
0x147: {  	v3 =	vadd.s32 v1, v3;
	_ =	sdelay $0x1  }
0x148: {  	s24 =	simm.s32 $0x1C000  }
0x149: {  	[tilespmem:s24], [sflag:$0x4] =	stream.indirect_vreg.gather [hbm4b:s3+s23], $0x80, v4, vm0, $0xb8;
	[tilespmem:$0x1D000] =	vst v63  }
0x14a: {  	s25 =	simm.s32 $0x1C800;
	s24 =	simm.s32 $0x3EF0  }
0x14b: {  	[tilespmem:s25], [sflag:$0x4] =	stream.indirect_vreg.gather [hbm4b:s3+s23], $0x80, v3, vm0, $0xb8;
	[tilespmem:$0x1D000] =	vst v63  }
.LBB2_4:
0x14c: {  	_ =	swait.ge [sflag:s18], $0x6000  }
0x14d: {  	s0 =	rddreg [dreg:$0x3]  }
0x14e: {  	[sflag:s18] =	ssyncset.done $0x0;
	s25 =	sadd.s32 s23, s0  }
0x14f: {  	[sflag:s18] =	ssyncadd.s32 $0xFFFFA000;
	s0 =	sadd.s32 $0x2400, s25  }
0x150: {  	[hbm4b:s0+s2] =	stream.linear.scatter [tilespmem:s1], [sflag:$0x8], $0x6000, $0x38;
	[tilespmem:$0x1D000] =	vst v63  }
0x151: {  	_ =	swait.ge [sflag:s19], $0x6000  }
0x152: {  	[sflag:s19] =	ssyncset.done $0x0  }
0x153: {  	[sflag:s19] =	ssyncadd.s32 $0xFFFFA000  }
0x154: {  	v3 =	vld [tilespmem:s24+$0xFFFFFE90];
	_ =	sdelay $0x4  }
0x155: {  	v4 =	vshll.u32 v3, $0x1  }
0x156: {  	v3 =	vand.u32 $0x7, v3;
	v4 =	vand.u32 $0xFFFFFFF0, v4  }
0x157: {  	v3 =	vor.u32 v3, v4  }
0x158: {  	v4 =	vperm.xlane v3, v0;
	_ =	sdelay $0x1  }
0x159: {  	v3 =	vperm.xlane v3, v2;
	v4 =	vadd.s32 v1, v4;
	_ =	sdelay $0x1  }
0x15a: {  	v3 =	vadd.s32 v1, v3;
	_ =	sdelay $0x2  }
0x15b: {  	[tilespmem:s17], [sflag:$0x1] =	stream.indirect_vreg.gather [hbm4b:s3+s2], $0x80, v4, vm0, $0xb8;
	[tilespmem:$0x1D000] =	vst v63  }
0x15c: {  	s0 =	simm.s32 $0x5800  }
0x15d: {  	[tilespmem:s0], [sflag:$0x1] =	stream.indirect_vreg.gather [hbm4b:s3+s2], $0x80, v3, vm0, $0xb8;
	[tilespmem:$0x1D000] =	vst v63  }
0x15e: {  	v3 =	vld [tilespmem:s24+$0xFFFFFEA0];
	_ =	sdelay $0x4  }
0x15f: {  	v41 =	vshll.u32 v3, $0x1  }
0x160: {  	v3 =	vand.u32 $0x7, v3;
	v4 =	vand.u32 $0xFFFFFFF0, v41  }
0x161: {  	v3 =	vor.u32 v3, v4  }
0x162: {  	v4 =	vperm.xlane v3, v0;
	_ =	sdelay $0x1  }
0x163: {  	v3 =	vperm.xlane v3, v2;
	v4 =	vadd.s32 v1, v4;
	_ =	sdelay $0x1  }
0x164: {  	v3 =	vadd.s32 v1, v3;
	_ =	sdelay $0x1  }
0x165: {  	s0 =	simm.s32 $0x6000  }
0x166: {  	[tilespmem:s0], [sflag:$0x1] =	stream.indirect_vreg.gather [hbm4b:s3+s2], $0x80, v4, vm0, $0xb8;
	[tilespmem:$0x1D000] =	vst v63  }
0x167: {  	s0 =	simm.s32 $0x6800  }
0x168: {  	[tilespmem:s0], [sflag:$0x1] =	stream.indirect_vreg.gather [hbm4b:s3+s2], $0x80, v3, vm0, $0xb8;
	[tilespmem:$0x1D000] =	vst v63  }
0x169: {  	v3 =	vld [tilespmem:s24+$0xFFFFFEB0];
	_ =	sdelay $0x4  }
0x16a: {  	v42 =	vshll.u32 v3, $0x1  }
0x16b: {  	v3 =	vand.u32 $0x7, v3;
	v4 =	vand.u32 $0xFFFFFFF0, v42  }
0x16c: {  	v3 =	vor.u32 v3, v4  }
0x16d: {  	v4 =	vperm.xlane v3, v0;
	_ =	sdelay $0x1  }
0x16e: {  	v3 =	vperm.xlane v3, v2;
	v4 =	vadd.s32 v1, v4;
	_ =	sdelay $0x1  }
0x16f: {  	v3 =	vadd.s32 v1, v3;
	_ =	sdelay $0x1  }
0x170: {  	s0 =	simm.s32 $0x7000  }
0x171: {  	[tilespmem:s0], [sflag:$0x1] =	stream.indirect_vreg.gather [hbm4b:s3+s2], $0x80, v4, vm0, $0xb8;
	[tilespmem:$0x1D000] =	vst v63  }
0x172: {  	s0 =	simm.s32 $0x7800  }
0x173: {  	[tilespmem:s0], [sflag:$0x1] =	stream.indirect_vreg.gather [hbm4b:s3+s2], $0x80, v3, vm0, $0xb8;
	[tilespmem:$0x1D000] =	vst v63  }
0x174: {  	v3 =	vld [tilespmem:s24+$0xFFFFFEC0];
	_ =	sdelay $0x4  }
0x175: {  	v43 =	vshll.u32 v3, $0x1  }
0x176: {  	v3 =	vand.u32 $0x7, v3;
	v4 =	vand.u32 $0xFFFFFFF0, v43  }
0x177: {  	v3 =	vor.u32 v3, v4  }
0x178: {  	v4 =	vperm.xlane v3, v0;
	_ =	sdelay $0x1  }
0x179: {  	v3 =	vperm.xlane v3, v2;
	v4 =	vadd.s32 v1, v4;
	_ =	sdelay $0x1  }
0x17a: {  	v3 =	vadd.s32 v1, v3;
	_ =	sdelay $0x1  }
0x17b: {  	s0 =	simm.s32 $0x8000  }
0x17c: {  	[tilespmem:s0], [sflag:$0x1] =	stream.indirect_vreg.gather [hbm4b:s3+s2], $0x80, v4, vm0, $0xb8;
	[tilespmem:$0x1D000] =	vst v63  }
0x17d: {  	s0 =	simm.s32 $0x8800  }
0x17e: {  	[tilespmem:s0], [sflag:$0x1] =	stream.indirect_vreg.gather [hbm4b:s3+s2], $0x80, v3, vm0, $0xb8;
	[tilespmem:$0x1D000] =	vst v63  }
0x17f: {  	v3 =	vld [tilespmem:s24+$0xFFFFFED0];
	_ =	sdelay $0x4  }
0x180: {  	v44 =	vshll.u32 v3, $0x1  }
0x181: {  	v3 =	vand.u32 $0x7, v3;
	v4 =	vand.u32 $0xFFFFFFF0, v44  }
0x182: {  	v3 =	vor.u32 v3, v4  }
0x183: {  	v4 =	vperm.xlane v3, v0;
	_ =	sdelay $0x1  }
0x184: {  	v3 =	vperm.xlane v3, v2;
	v4 =	vadd.s32 v1, v4;
	_ =	sdelay $0x1  }
0x185: {  	v3 =	vadd.s32 v1, v3;
	_ =	sdelay $0x1  }
0x186: {  	s0 =	simm.s32 $0x9000  }
0x187: {  	[tilespmem:s0], [sflag:$0x1] =	stream.indirect_vreg.gather [hbm4b:s3+s2], $0x80, v4, vm0, $0xb8;
	[tilespmem:$0x1D000] =	vst v63  }
0x188: {  	s0 =	simm.s32 $0x9800  }
0x189: {  	[tilespmem:s0], [sflag:$0x1] =	stream.indirect_vreg.gather [hbm4b:s3+s2], $0x80, v3, vm0, $0xb8;
	[tilespmem:$0x1D000] =	vst v63  }
0x18a: {  	v3 =	vld [tilespmem:s24+$0xFFFFFEE0];
	_ =	sdelay $0x4  }
0x18b: {  	v45 =	vshll.u32 v3, $0x1  }
0x18c: {  	v3 =	vand.u32 $0x7, v3;
	v4 =	vand.u32 $0xFFFFFFF0, v45  }
0x18d: {  	v3 =	vor.u32 v3, v4  }
0x18e: {  	v4 =	vperm.xlane v3, v0;
	_ =	sdelay $0x1  }
0x18f: {  	v3 =	vperm.xlane v3, v2;
	v4 =	vadd.s32 v1, v4;
	_ =	sdelay $0x1  }
0x190: {  	v3 =	vadd.s32 v1, v3;
	_ =	sdelay $0x1  }
0x191: {  	s0 =	simm.s32 $0xA000  }
0x192: {  	[tilespmem:s0], [sflag:$0x1] =	stream.indirect_vreg.gather [hbm4b:s3+s2], $0x80, v4, vm0, $0xb8;
	[tilespmem:$0x1D000] =	vst v63  }
0x193: {  	s0 =	simm.s32 $0xA800  }
0x194: {  	[tilespmem:s0], [sflag:$0x1] =	stream.indirect_vreg.gather [hbm4b:s3+s2], $0x80, v3, vm0, $0xb8;
	[tilespmem:$0x1D000] =	vst v63  }
0x195: {  	_ =	swait.ge [sflag:s30], $0x6000  }
0x196: {  	[sflag:s30] =	ssyncset.done $0x0  }
0x197: {  	s0 =	sadd.s32 $0x3000, s25;
	[sflag:s30] =	ssyncadd.s32 $0xFFFFA000  }
0x198: {  	[hbm4b:s0+s2] =	stream.linear.scatter [tilespmem:s17], [sflag:$0x5], $0x6000, $0x38;
	[tilespmem:$0x1D000] =	vst v63  }
0x199: {  	_ =	swait.ge [sflag:s20], $0x6000  }
0x19a: {  	[sflag:s20] =	ssyncset.done $0x0  }
0x19b: {  	[sflag:s20] =	ssyncadd.s32 $0xFFFFA000  }
0x19c: {  	v3 =	vld [tilespmem:s24+$0xFFFFFEF0];
	_ =	sdelay $0x4  }
0x19d: {  	v46 =	vshll.u32 v3, $0x1  }
0x19e: {  	v3 =	vand.u32 $0x7, v3;
	v4 =	vand.u32 $0xFFFFFFF0, v46  }
0x19f: {  	v3 =	vor.u32 v3, v4  }
0x1a0: {  	v4 =	vperm.xlane v3, v0;
	_ =	sdelay $0x1  }
0x1a1: {  	v3 =	vperm.xlane v3, v2;
	v4 =	vadd.s32 v1, v4;
	_ =	sdelay $0x1  }
0x1a2: {  	v3 =	vadd.s32 v1, v3;
	_ =	sdelay $0x2  }
0x1a3: {  	[tilespmem:s31], [sflag:$0x2] =	stream.indirect_vreg.gather [hbm4b:s3+s2], $0x80, v4, vm0, $0xb8;
	[tilespmem:$0x1D000] =	vst v63  }
0x1a4: {  	s0 =	simm.s32 $0xB800  }
0x1a5: {  	[tilespmem:s0], [sflag:$0x2] =	stream.indirect_vreg.gather [hbm4b:s3+s2], $0x80, v3, vm0, $0xb8;
	[tilespmem:$0x1D000] =	vst v63  }
0x1a6: {  	v3 =	vld [tilespmem:s24+$0xFFFFFF00];
	_ =	sdelay $0x4  }
0x1a7: {  	v47 =	vshll.u32 v3, $0x1  }
0x1a8: {  	v3 =	vand.u32 $0x7, v3;
	v4 =	vand.u32 $0xFFFFFFF0, v47  }
0x1a9: {  	v3 =	vor.u32 v3, v4  }
0x1aa: {  	v4 =	vperm.xlane v3, v0;
	_ =	sdelay $0x1  }
0x1ab: {  	v3 =	vperm.xlane v3, v2;
	v4 =	vadd.s32 v1, v4;
	_ =	sdelay $0x1  }
0x1ac: {  	v3 =	vadd.s32 v1, v3;
	_ =	sdelay $0x1  }
0x1ad: {  	s0 =	simm.s32 $0xC000  }
0x1ae: {  	[tilespmem:s0], [sflag:$0x2] =	stream.indirect_vreg.gather [hbm4b:s3+s2], $0x80, v4, vm0, $0xb8;
	[tilespmem:$0x1D000] =	vst v63  }
0x1af: {  	s0 =	simm.s32 $0xC800  }
0x1b0: {  	[tilespmem:s0], [sflag:$0x2] =	stream.indirect_vreg.gather [hbm4b:s3+s2], $0x80, v3, vm0, $0xb8;
	[tilespmem:$0x1D000] =	vst v63  }
0x1b1: {  	v3 =	vld [tilespmem:s24+$0xFFFFFF10];
	_ =	sdelay $0x4  }
0x1b2: {  	v48 =	vshll.u32 v3, $0x1  }
0x1b3: {  	v3 =	vand.u32 $0x7, v3;
	v4 =	vand.u32 $0xFFFFFFF0, v48  }
0x1b4: {  	v3 =	vor.u32 v3, v4  }
0x1b5: {  	v4 =	vperm.xlane v3, v0;
	_ =	sdelay $0x1  }
0x1b6: {  	v3 =	vperm.xlane v3, v2;
	v4 =	vadd.s32 v1, v4;
	_ =	sdelay $0x1  }
0x1b7: {  	v3 =	vadd.s32 v1, v3;
	_ =	sdelay $0x1  }
0x1b8: {  	s0 =	simm.s32 $0xD000  }
0x1b9: {  	[tilespmem:s0], [sflag:$0x2] =	stream.indirect_vreg.gather [hbm4b:s3+s2], $0x80, v4, vm0, $0xb8;
	[tilespmem:$0x1D000] =	vst v63  }
0x1ba: {  	s0 =	simm.s32 $0xD800  }
0x1bb: {  	[tilespmem:s0], [sflag:$0x2] =	stream.indirect_vreg.gather [hbm4b:s3+s2], $0x80, v3, vm0, $0xb8;
	[tilespmem:$0x1D000] =	vst v63  }
0x1bc: {  	v3 =	vld [tilespmem:s24+$0xFFFFFF20];
	_ =	sdelay $0x4  }
0x1bd: {  	v49 =	vshll.u32 v3, $0x1  }
0x1be: {  	v3 =	vand.u32 $0x7, v3;
	v4 =	vand.u32 $0xFFFFFFF0, v49  }
0x1bf: {  	v3 =	vor.u32 v3, v4  }
0x1c0: {  	v4 =	vperm.xlane v3, v0;
	_ =	sdelay $0x1  }
0x1c1: {  	v3 =	vperm.xlane v3, v2;
	v4 =	vadd.s32 v1, v4;
	_ =	sdelay $0x1  }
0x1c2: {  	v3 =	vadd.s32 v1, v3;
	_ =	sdelay $0x1  }
0x1c3: {  	s0 =	simm.s32 $0xE000  }
0x1c4: {  	[tilespmem:s0], [sflag:$0x2] =	stream.indirect_vreg.gather [hbm4b:s3+s2], $0x80, v4, vm0, $0xb8;
	[tilespmem:$0x1D000] =	vst v63  }
0x1c5: {  	s0 =	simm.s32 $0xE800  }
0x1c6: {  	[tilespmem:s0], [sflag:$0x2] =	stream.indirect_vreg.gather [hbm4b:s3+s2], $0x80, v3, vm0, $0xb8;
	[tilespmem:$0x1D000] =	vst v63  }
0x1c7: {  	v3 =	vld [tilespmem:s24+$0xFFFFFF30];
	_ =	sdelay $0x4  }
0x1c8: {  	v50 =	vshll.u32 v3, $0x1  }
0x1c9: {  	v3 =	vand.u32 $0x7, v3;
	v4 =	vand.u32 $0xFFFFFFF0, v50  }
0x1ca: {  	v3 =	vor.u32 v3, v4  }
0x1cb: {  	v4 =	vperm.xlane v3, v0;
	_ =	sdelay $0x1  }
0x1cc: {  	v3 =	vperm.xlane v3, v2;
	v4 =	vadd.s32 v1, v4;
	_ =	sdelay $0x1  }
0x1cd: {  	v3 =	vadd.s32 v1, v3;
	_ =	sdelay $0x1  }
0x1ce: {  	s0 =	simm.s32 $0xF000  }
0x1cf: {  	[tilespmem:s0], [sflag:$0x2] =	stream.indirect_vreg.gather [hbm4b:s3+s2], $0x80, v4, vm0, $0xb8;
	[tilespmem:$0x1D000] =	vst v63  }
0x1d0: {  	s0 =	simm.s32 $0xF800  }
0x1d1: {  	[tilespmem:s0], [sflag:$0x2] =	stream.indirect_vreg.gather [hbm4b:s3+s2], $0x80, v3, vm0, $0xb8;
	[tilespmem:$0x1D000] =	vst v63  }
0x1d2: {  	v3 =	vld [tilespmem:s24+$0xFFFFFF40];
	_ =	sdelay $0x4  }
0x1d3: {  	v51 =	vshll.u32 v3, $0x1  }
0x1d4: {  	v3 =	vand.u32 $0x7, v3;
	v4 =	vand.u32 $0xFFFFFFF0, v51  }
0x1d5: {  	v3 =	vor.u32 v3, v4  }
0x1d6: {  	v4 =	vperm.xlane v3, v0;
	_ =	sdelay $0x1  }
0x1d7: {  	v3 =	vperm.xlane v3, v2;
	v4 =	vadd.s32 v1, v4;
	_ =	sdelay $0x1  }
0x1d8: {  	v3 =	vadd.s32 v1, v3;
	_ =	sdelay $0x1  }
0x1d9: {  	s0 =	simm.s32 $0x10000  }
0x1da: {  	[tilespmem:s0], [sflag:$0x2] =	stream.indirect_vreg.gather [hbm4b:s3+s2], $0x80, v4, vm0, $0xb8;
	[tilespmem:$0x1D000] =	vst v63  }
0x1db: {  	_ = 	snop  }
0x1dc: {  	[tilespmem:s11], [sflag:$0x2] =	stream.indirect_vreg.gather [hbm4b:s3+s2], $0x80, v3, vm0, $0xb8;
	[tilespmem:$0x1D000] =	vst v63  }
0x1dd: {  	_ =	swait.ge [sflag:s13], $0x6000  }
0x1de: {  	[sflag:s13] =	ssyncset.done $0x0  }
0x1df: {  	s0 =	sadd.s32 $0x3C00, s25;
	[sflag:s13] =	ssyncadd.s32 $0xFFFFA000  }
0x1e0: {  	[hbm4b:s0+s2] =	stream.linear.scatter [tilespmem:s31], [sflag:$0x6], $0x6000, $0x38;
	[tilespmem:$0x1D000] =	vst v63  }
0x1e1: {  	_ =	swait.ge [sflag:s21], $0x6000  }
0x1e2: {  	[sflag:s21] =	ssyncset.done $0x0  }
0x1e3: {  	[sflag:s21] =	ssyncadd.s32 $0xFFFFA000  }
0x1e4: {  	v3 =	vld [tilespmem:s24+$0xFFFFFF50];
	_ =	sdelay $0x4  }
0x1e5: {  	v52 =	vshll.u32 v3, $0x1  }
0x1e6: {  	v3 =	vand.u32 $0x7, v3;
	v4 =	vand.u32 $0xFFFFFFF0, v52  }
0x1e7: {  	v3 =	vor.u32 v3, v4  }
0x1e8: {  	v4 =	vperm.xlane v3, v0;
	_ =	sdelay $0x1  }
0x1e9: {  	v3 =	vperm.xlane v3, v2;
	v4 =	vadd.s32 v1, v4;
	_ =	sdelay $0x1  }
0x1ea: {  	v3 =	vadd.s32 v1, v3;
	_ =	sdelay $0x2  }
0x1eb: {  	[tilespmem:s4], [sflag:$0x3] =	stream.indirect_vreg.gather [hbm4b:s3+s2], $0x80, v4, vm0, $0xb8;
	[tilespmem:$0x1D000] =	vst v63  }
0x1ec: {  	_ = 	snop  }
0x1ed: {  	[tilespmem:s12], [sflag:$0x3] =	stream.indirect_vreg.gather [hbm4b:s3+s2], $0x80, v3, vm0, $0xb8;
	[tilespmem:$0x1D000] =	vst v63  }
0x1ee: {  	v3 =	vld [tilespmem:s24+$0xFFFFFF60];
	_ =	sdelay $0x4  }
0x1ef: {  	v53 =	vshll.u32 v3, $0x1  }
0x1f0: {  	v3 =	vand.u32 $0x7, v3;
	v4 =	vand.u32 $0xFFFFFFF0, v53  }
0x1f1: {  	v3 =	vor.u32 v3, v4  }
0x1f2: {  	v4 =	vperm.xlane v3, v0;
	_ =	sdelay $0x1  }
0x1f3: {  	v3 =	vperm.xlane v3, v2;
	v4 =	vadd.s32 v1, v4;
	_ =	sdelay $0x1  }
0x1f4: {  	v3 =	vadd.s32 v1, v3;
	_ =	sdelay $0x2  }
0x1f5: {  	[tilespmem:s14], [sflag:$0x3] =	stream.indirect_vreg.gather [hbm4b:s3+s2], $0x80, v4, vm0, $0xb8;
	[tilespmem:$0x1D000] =	vst v63  }
0x1f6: {  	_ = 	snop  }
0x1f7: {  	[tilespmem:s15], [sflag:$0x3] =	stream.indirect_vreg.gather [hbm4b:s3+s2], $0x80, v3, vm0, $0xb8;
	[tilespmem:$0x1D000] =	vst v63  }
0x1f8: {  	v3 =	vld [tilespmem:s24+$0xFFFFFF70];
	_ =	sdelay $0x4  }
0x1f9: {  	v54 =	vshll.u32 v3, $0x1  }
0x1fa: {  	v3 =	vand.u32 $0x7, v3;
	v4 =	vand.u32 $0xFFFFFFF0, v54  }
0x1fb: {  	v3 =	vor.u32 v3, v4  }
0x1fc: {  	v4 =	vperm.xlane v3, v0;
	_ =	sdelay $0x1  }
0x1fd: {  	v3 =	vperm.xlane v3, v2;
	v4 =	vadd.s32 v1, v4;
	_ =	sdelay $0x1  }
0x1fe: {  	v3 =	vadd.s32 v1, v3;
	_ =	sdelay $0x2  }
0x1ff: {  	[tilespmem:s26], [sflag:$0x3] =	stream.indirect_vreg.gather [hbm4b:s3+s2], $0x80, v4, vm0, $0xb8;
	[tilespmem:$0x1D000] =	vst v63  }
0x200: {  	_ = 	snop  }
0x201: {  	[tilespmem:s28], [sflag:$0x3] =	stream.indirect_vreg.gather [hbm4b:s3+s2], $0x80, v3, vm0, $0xb8;
	[tilespmem:$0x1D000] =	vst v63  }
0x202: {  	v3 =	vld [tilespmem:s24+$0xFFFFFF80];
	_ =	sdelay $0x4  }
0x203: {  	v55 =	vshll.u32 v3, $0x1  }
0x204: {  	v3 =	vand.u32 $0x7, v3;
	v4 =	vand.u32 $0xFFFFFFF0, v55  }
0x205: {  	v3 =	vor.u32 v3, v4  }
0x206: {  	v4 =	vperm.xlane v3, v0;
	_ =	sdelay $0x1  }
0x207: {  	v3 =	vperm.xlane v3, v2;
	v4 =	vadd.s32 v1, v4;
	_ =	sdelay $0x1  }
0x208: {  	v3 =	vadd.s32 v1, v3;
	_ =	sdelay $0x2  }
0x209: {  	[tilespmem:s16], [sflag:$0x3] =	stream.indirect_vreg.gather [hbm4b:s3+s2], $0x80, v4, vm0, $0xb8;
	[tilespmem:$0x1D000] =	vst v63  }
0x20a: {  	_ = 	snop  }
0x20b: {  	[tilespmem:s5], [sflag:$0x3] =	stream.indirect_vreg.gather [hbm4b:s3+s2], $0x80, v3, vm0, $0xb8;
	[tilespmem:$0x1D000] =	vst v63  }
0x20c: {  	v3 =	vld [tilespmem:s24+$0xFFFFFF90];
	_ =	sdelay $0x4  }
0x20d: {  	v56 =	vshll.u32 v3, $0x1  }
0x20e: {  	v3 =	vand.u32 $0x7, v3;
	v4 =	vand.u32 $0xFFFFFFF0, v56  }
0x20f: {  	v3 =	vor.u32 v3, v4  }
0x210: {  	v4 =	vperm.xlane v3, v0;
	_ =	sdelay $0x1  }
0x211: {  	v3 =	vperm.xlane v3, v2;
	v4 =	vadd.s32 v1, v4;
	_ =	sdelay $0x1  }
0x212: {  	v3 =	vadd.s32 v1, v3;
	_ =	sdelay $0x2  }
0x213: {  	[tilespmem:s6], [sflag:$0x3] =	stream.indirect_vreg.gather [hbm4b:s3+s2], $0x80, v4, vm0, $0xb8;
	[tilespmem:$0x1D000] =	vst v63  }
0x214: {  	_ = 	snop  }
0x215: {  	[tilespmem:s8], [sflag:$0x3] =	stream.indirect_vreg.gather [hbm4b:s3+s2], $0x80, v3, vm0, $0xb8;
	[tilespmem:$0x1D000] =	vst v63  }
0x216: {  	v3 =	vld [tilespmem:s24+$0xFFFFFFA0];
	_ =	sdelay $0x4  }
0x217: {  	v57 =	vshll.u32 v3, $0x1  }
0x218: {  	v3 =	vand.u32 $0x7, v3;
	v4 =	vand.u32 $0xFFFFFFF0, v57  }
0x219: {  	v3 =	vor.u32 v3, v4  }
0x21a: {  	v4 =	vperm.xlane v3, v0;
	_ =	sdelay $0x1  }
0x21b: {  	v3 =	vperm.xlane v3, v2;
	v4 =	vadd.s32 v1, v4;
	_ =	sdelay $0x1  }
0x21c: {  	v3 =	vadd.s32 v1, v3;
	_ =	sdelay $0x2  }
0x21d: {  	[tilespmem:s9], [sflag:$0x3] =	stream.indirect_vreg.gather [hbm4b:s3+s2], $0x80, v4, vm0, $0xb8;
	[tilespmem:$0x1D000] =	vst v63  }
0x21e: {  	_ = 	snop  }
0x21f: {  	[tilespmem:s10], [sflag:$0x3] =	stream.indirect_vreg.gather [hbm4b:s3+s2], $0x80, v3, vm0, $0xb8;
	[tilespmem:$0x1D000] =	vst v63  }
0x220: {  	_ =	swait.ge [sflag:s29], $0x6000  }
0x221: {  	[sflag:s29] =	ssyncset.done $0x0  }
0x222: {  	s0 =	sadd.s32 $0x4800, s25;
	[sflag:s29] =	ssyncadd.s32 $0xFFFFA000  }
0x223: {  	[hbm4b:s0+s2] =	stream.linear.scatter [tilespmem:s4], [sflag:$0x7], $0x6000, $0x38;
	[tilespmem:$0x1D000] =	vst v63  }
0x224: {  	_ =	swait.ge [sflag:s22], $0x6000  }
0x225: {  	[sflag:s22] =	ssyncset.done $0x0  }
0x226: {  	[sflag:s22] =	ssyncadd.s32 $0xFFFFA000  }
0x227: {  	v3 =	vld [tilespmem:s24+$0xFFFFFFB0];
	_ =	sdelay $0x4  }
0x228: {  	v58 =	vshll.u32 v3, $0x1  }
0x229: {  	v3 =	vand.u32 $0x7, v3;
	v4 =	vand.u32 $0xFFFFFFF0, v58  }
0x22a: {  	v3 =	vor.u32 v3, v4  }
0x22b: {  	v4 =	vperm.xlane v3, v0;
	_ =	sdelay $0x1  }
0x22c: {  	v3 =	vperm.xlane v3, v2;
	v4 =	vadd.s32 v1, v4;
	_ =	sdelay $0x1  }
0x22d: {  	v3 =	vadd.s32 v1, v3;
	_ =	sdelay $0x2  }
0x22e: {  	[tilespmem:s1], [sflag:$0x4] =	stream.indirect_vreg.gather [hbm4b:s3+s2], $0x80, v4, vm0, $0xb8;
	[tilespmem:$0x1D000] =	vst v63  }
0x22f: {  	s25 =	simm.s32 $0x17800  }
0x230: {  	[tilespmem:s25], [sflag:$0x4] =	stream.indirect_vreg.gather [hbm4b:s3+s2], $0x80, v3, vm0, $0xb8;
	[tilespmem:$0x1D000] =	vst v63  }
0x231: {  	v3 =	vld [tilespmem:s24+$0xFFFFFFC0];
	_ =	sdelay $0x4  }
0x232: {  	v59 =	vshll.u32 v3, $0x1  }
0x233: {  	v3 =	vand.u32 $0x7, v3;
	v4 =	vand.u32 $0xFFFFFFF0, v59  }
0x234: {  	v3 =	vor.u32 v3, v4  }
0x235: {  	v4 =	vperm.xlane v3, v0;
	_ =	sdelay $0x1  }
0x236: {  	v3 =	vperm.xlane v3, v2;
	v4 =	vadd.s32 v1, v4;
	_ =	sdelay $0x1  }
0x237: {  	v3 =	vadd.s32 v1, v3;
	_ =	sdelay $0x1  }
0x238: {  	s0 =	simm.s32 $0x18000  }
0x239: {  	[tilespmem:s0], [sflag:$0x4] =	stream.indirect_vreg.gather [hbm4b:s3+s2], $0x80, v4, vm0, $0xb8;
	[tilespmem:$0x1D000] =	vst v63  }
0x23a: {  	s25 =	simm.s32 $0x18800  }
0x23b: {  	[tilespmem:s25], [sflag:$0x4] =	stream.indirect_vreg.gather [hbm4b:s3+s2], $0x80, v3, vm0, $0xb8;
	[tilespmem:$0x1D000] =	vst v63  }
0x23c: {  	v3 =	vld [tilespmem:s24+$0xFFFFFFD0];
	_ =	sdelay $0x4  }
0x23d: {  	v60 =	vshll.u32 v3, $0x1  }
0x23e: {  	v3 =	vand.u32 $0x7, v3;
	v4 =	vand.u32 $0xFFFFFFF0, v60  }
0x23f: {  	v3 =	vor.u32 v3, v4  }
0x240: {  	v4 =	vperm.xlane v3, v0;
	_ =	sdelay $0x1  }
0x241: {  	v3 =	vperm.xlane v3, v2;
	v4 =	vadd.s32 v1, v4;
	_ =	sdelay $0x1  }
0x242: {  	v3 =	vadd.s32 v1, v3;
	_ =	sdelay $0x1  }
0x243: {  	s0 =	simm.s32 $0x19000  }
0x244: {  	[tilespmem:s0], [sflag:$0x4] =	stream.indirect_vreg.gather [hbm4b:s3+s2], $0x80, v4, vm0, $0xb8;
	[tilespmem:$0x1D000] =	vst v63  }
0x245: {  	s25 =	simm.s32 $0x19800  }
0x246: {  	[tilespmem:s25], [sflag:$0x4] =	stream.indirect_vreg.gather [hbm4b:s3+s2], $0x80, v3, vm0, $0xb8;
	[tilespmem:$0x1D000] =	vst v63  }
0x247: {  	v3 =	vld [tilespmem:s24+$0xFFFFFFE0];
	_ =	sdelay $0x4  }
0x248: {  	v61 =	vshll.u32 v3, $0x1  }
0x249: {  	v3 =	vand.u32 $0x7, v3;
	v4 =	vand.u32 $0xFFFFFFF0, v61  }
0x24a: {  	v3 =	vor.u32 v3, v4  }
0x24b: {  	v4 =	vperm.xlane v3, v0;
	_ =	sdelay $0x1  }
0x24c: {  	v3 =	vperm.xlane v3, v2;
	v4 =	vadd.s32 v1, v4;
	_ =	sdelay $0x1  }
0x24d: {  	v3 =	vadd.s32 v1, v3;
	_ =	sdelay $0x1  }
0x24e: {  	s0 =	simm.s32 $0x1A000  }
0x24f: {  	[tilespmem:s0], [sflag:$0x4] =	stream.indirect_vreg.gather [hbm4b:s3+s2], $0x80, v4, vm0, $0xb8;
	[tilespmem:$0x1D000] =	vst v63  }
0x250: {  	s25 =	simm.s32 $0x1A800  }
0x251: {  	[tilespmem:s25], [sflag:$0x4] =	stream.indirect_vreg.gather [hbm4b:s3+s2], $0x80, v3, vm0, $0xb8;
	[tilespmem:$0x1D000] =	vst v63  }
0x252: {  	v3 =	vld [tilespmem:s24+$0xFFFFFFF0];
	_ =	sdelay $0x4  }
0x253: {  	v62 =	vshll.u32 v3, $0x1  }
0x254: {  	v3 =	vand.u32 $0x7, v3;
	v4 =	vand.u32 $0xFFFFFFF0, v62  }
0x255: {  	v3 =	vor.u32 v3, v4  }
0x256: {  	v4 =	vperm.xlane v3, v0;
	_ =	sdelay $0x1  }
0x257: {  	v3 =	vperm.xlane v3, v2;
	v4 =	vadd.s32 v1, v4;
	_ =	sdelay $0x1  }
0x258: {  	v3 =	vadd.s32 v1, v3;
	_ =	sdelay $0x1  }
0x259: {  	s0 =	simm.s32 $0x1B000  }
0x25a: {  	[tilespmem:s0], [sflag:$0x4] =	stream.indirect_vreg.gather [hbm4b:s3+s2], $0x80, v4, vm0, $0xb8;
	[tilespmem:$0x1D000] =	vst v63  }
0x25b: {  	s25 =	simm.s32 $0x1B800  }
0x25c: {  	[tilespmem:s25], [sflag:$0x4] =	stream.indirect_vreg.gather [hbm4b:s3+s2], $0x80, v3, vm0, $0xb8;
	[tilespmem:$0x1D000] =	vst v63  }
0x25d: {  	v3 =	vld [tilespmem:s24+$0x0];
	_ =	sdelay $0x4  }
0x25e: {  	v63 =	vshll.u32 v3, $0x1  }
0x25f: {  	v3 =	vand.u32 $0x7, v3;
	v4 =	vand.u32 $0xFFFFFFF0, v63  }
0x260: {  	v3 =	vor.u32 v3, v4  }
0x261: {  	v4 =	vperm.xlane v3, v0;
	_ =	sdelay $0x1  }
0x262: {  	v3 =	vperm.xlane v3, v2;
	v4 =	vadd.s32 v1, v4;
	_ =	sdelay $0x1  }
0x263: {  	p0 =	sne.s32 s23, $0x21000;
	v3 =	vadd.s32 v1, v3  }
.Ltmp1:
0x264: {  	_ = 	snop;
	(pc) =	sbr.rel @p0 .LBB2_4-.Ltmp1, $4  }
0x265: {  	s0 =	simm.s32 $0x1C000  }
0x266: {  	[tilespmem:s0], [sflag:$0x4] =	stream.indirect_vreg.gather [hbm4b:s3+s2], $0x80, v4, vm0, $0xb8;
	[tilespmem:$0x1D000] =	vst v63  }
0x267: {  	s23 =	sadd.s32 $0x3000, s23;
	s25 =	simm.s32 $0x1C800;
	s24 =	sadd.s32 $0x180, s24  }
0x268: {  	[tilespmem:s25], [sflag:$0x4] =	stream.indirect_vreg.gather [hbm4b:s3+s2], $0x80, v3, vm0, $0xb8;
	[tilespmem:$0x1D000] =	vst v63  }
0x269: {  	_ =	swait.ge [sflag:s18], $0x6000  }
0x26a: {  	[sflag:s18] =	ssyncset.done $0x0  }
0x26b: {  	s0 =	rddreg [dreg:$0xa];
	[sflag:s18] =	ssyncadd.s32 $0xFFFFA000  }
0x26c: {  	[hbm4b:s0+s2] =	stream.linear.scatter [tilespmem:s1], [sflag:$0x8], $0x6000, $0x38;
	[tilespmem:$0x1D000] =	vst v63  }
0x26d: {  	_ =	swait.ge [sflag:s19], $0x6000  }
0x26e: {  	[sflag:s19] =	ssyncset.done $0x0  }
0x26f: {  	[sflag:s19] =	ssyncadd.s32 $0xFFFFA000  }
0x270: {  	v3 =	vld.msk [tilespmem:$0x4F80], $0xff;
	_ =	sdelay $0x4  }
0x271: {  	v4 =	vshll.u32 v3, $0x1  }
0x272: {  	v3 =	vand.u32 $0x7, v3;
	v4 =	vand.u32 $0xFFFFFFF0, v4  }
0x273: {  	v3 =	vor.u32 v3, v4  }
0x274: {  	v3 =	vperm.xlane v3, v0;
	_ =	sdelay $0x1  }
0x275: {  	v3 =	vadd.s32 v1, v3;
	_ =	sdelay $0x4  }
0x276: {  	[tilespmem:s17], [sflag:$0x1] =	stream.indirect_vreg.gather [hbm4b:s3+s2], $0x80, v3, vm0, $0xb8;
	[tilespmem:$0x1D000] =	vst v63  }
0x277: {  	_ =	swait.ge [sflag:s30], $0x800  }
0x278: {  	[sflag:s30] =	ssyncset.done $0x0  }
0x279: {  	s15 =	simm.s32 $0x9;
	s26 =	rddreg [dreg:$0xb];
	[sflag:s30] =	ssyncadd.s32 $0xFFFFF800  }
0x27a: {  	[hbm4b:s26+s2] =	stream.linear.scatter [tilespmem:s17], [sflag:$0x9], $0x800, $0x38;
	[tilespmem:$0x1D000] =	vst v63  }
0x27b: {  	_ =	swait.ge [sflag:s15], $0x800  }
0x27c: {  	[sflag:s15] =	ssyncset.done $0x0  }
0x27d: {  	[sflag:s15] =	ssyncadd.s32 $0xFFFFF800  }
0x27e: {  	_ =	swait.ge [sflag:s20], $0x6000  }
0x27f: {  	[sflag:s20] =	ssyncset.done $0x0  }
0x280: {  	[sflag:s20] =	ssyncadd.s32 $0xFFFFA000  }
0x281: {  	_ =	swait.ge [sflag:s21], $0x6000  }
0x282: {  	[sflag:s21] =	ssyncset.done $0x0  }
0x283: {  	[sflag:s21] =	ssyncadd.s32 $0xFFFFA000  }
0x284: {  	_ =	swait.ge [sflag:s22], $0x6000  }
0x285: {  	s5 =	rddreg [dreg:$0xd]  }
0x286: {  	s28 =	rddreg [dreg:$0xc];
	s5 =	sadd.s32 $0x1, s5  }
0x287: {  	p0 =	sne.s32 s5, s28  }
.Ltmp2:
0x288: {  	_ = 	snop;
	(pc) =	sbr.rel @p0 .LBB2_1-.Ltmp2, $3  }
0x289: {  	_ =	sdelay $0x1  }
0x28a: {  	[sflag:s22] =	ssyncset.done $0x0  }
0x28b: {  	[sflag:s22] =	ssyncadd.s32 $0xFFFFA000  }
0x28c: {  	_ =	sfence.sel $0x180000  }
0x28d: {  	[bflag:$0x0] =	sbarrier.arrive $0xFFFF  }
0x28e: {  	_ =	strace $0x90000047  }
0x28f: {  	s0 =	stileid.u32;
	[bflag:$0x2] =	sbarrier.arrive $0xFFFF  }
0x290: {  	p0 =	sne.s32 s0, $0x0;
	s0 =	rddreg [dreg:$0x2]  }
0x291: {  	s0 =	sadd.s32 @!p0 $0x100000, s0  }
0x292: {  	[sflag:s0] =	ssyncadd.tile.s32 @!p0 $0x1;
	_ =	shalt  }
.Lfunc_end2:
_tile_overlayer_lowered:
.L_overlay_start_2:
0x293: {  	(tag) =	ssettag $0x2  }
0x294: {  	s0 =	rddreg [dreg:$0x0];
	s2 =	stileid.u32  }
0x295: {  	s1 =	rddreg [dreg:$0x1];
	p0 =	sne.s32 s2, $0x0  }
0x296: {  	s3 =	rddreg [dreg:$0x2];
	[bflag:$0x3] =	sbarrier.arrive $0xFFFF;
	s2 =	simm.s32 @!p0 $0x1C09  }
0x297: {  	[timem:s3], [sflag:s2] =	dma.local @!p0 [hbm:s0], s1  }
0x298: {  	s0 =	simm.s32 @!p0 $0x9  }
0x299: {  	_ =	swait.ge @!p0 [sflag:s0], s1  }
0x29a: {  	s1 =	ssub.s32 @!p0 $0x0, s1;
	[sflag:s0] =	ssyncset.done @!p0 $0x0  }
0x29b: {  	[sflag:s0] =	ssyncadd.s32 @!p0 s1  }
0x29c: {  	[bflag:$0x3] =	sbarrier.arrive $0xFFFF  }
0x29d: {  	_ =	shalt  }

</sc_bundles>
